<compile_context>
chip_gen: v7x
topology: tpu7x:2x2x1
jax: 0.10.2.dev20260603
libtpu: 0.0.44.dev20260713+nightly
codegen_flags: <defaults>
</compile_context>

<pallas_src>
import functools

import jax
import jax.numpy as jnp
from jax import lax
from jax.experimental import pallas as pl
from jax.experimental.pallas import tpu as pltpu
from jax.experimental.pallas import tpu_sc as plsc

_NC, _NS = 2, 16
_NW = _NC * _NS
_EMB = 32
_FW = 4 * _EMB
_CHUNK = 128
_GCH = 256


def _fuse_body(a_r, b_r, c_r, d_r, f_r):
    stacked = jnp.concatenate(
        [a_r[...], b_r[...], c_r[...], d_r[...]], axis=0)
    f_r[...] = stacked.T


def _tc_fuse_tables(a, b, c, d):
    n = a.shape[1]
    blk = 24576
    grid = pl.cdiv(n, blk)
    in_spec = pl.BlockSpec((_EMB, blk), lambda i: (0, i))
    return pl.pallas_call(
        _fuse_body,
        grid=(grid,),
        in_specs=[in_spec] * 4,
        out_specs=pl.BlockSpec((blk, _FW), lambda i: (i, 0)),
        out_shape=jax.ShapeDtypeStruct((n, _FW), jnp.float32),
        compiler_params=pltpu.CompilerParams(vmem_limit_bytes=100 * 2**20),
    )(a, b, c, d)


def _sc_gather(u2, v2, n2, fused, B, BN):
    cb = B // _NW
    cn = BN // _NW
    mesh = plsc.VectorSubcoreMesh(core_axis_name="c", subcore_axis_name="s",
                                  num_cores=_NC, num_subcores=_NS)
    out_type = tuple(
        jax.ShapeDtypeStruct((sz, _FW), jnp.float32) for sz in (B, B, BN)
    )
    scratch = [
        pltpu.VMEM((cb // _CHUNK, _CHUNK), jnp.int32),
        pltpu.VMEM((cb // _CHUNK, _CHUNK), jnp.int32),
        pltpu.VMEM((cn // _CHUNK, _CHUNK), jnp.int32),
        pltpu.VMEM((_GCH, _FW), jnp.float32),
        pltpu.VMEM((_GCH, _FW), jnp.float32),
        pltpu.VMEM((_GCH, _FW), jnp.float32),
        pltpu.SemaphoreType.DMA,
        pltpu.SemaphoreType.DMA,
        pltpu.SemaphoreType.DMA,
        pltpu.SemaphoreType.DMA,
        pltpu.SemaphoreType.DMA,
    ]

    @functools.partial(pl.kernel, mesh=mesh, out_type=out_type,
                       scratch_types=scratch,
                       compiler_params=pltpu.CompilerParams(
                           use_tc_tiling_on_sc=False))
    def k(u_h, v_h, n_h, f_h, ru_o, rv_o, rn_o,
          ui_v, vi_v, ni_v, buf_a, buf_b, buf_c,
          sg_a, sg_b, sw_a, sw_b, sw_c):
        w = lax.axis_index("s") * _NC + lax.axis_index("c")
        pltpu.sync_copy(u_h.at[w], ui_v)
        pltpu.sync_copy(v_h.at[w], vi_v)
        pltpu.sync_copy(n_h.at[w], ni_v)

        chunks = []
        for ci in range(cb // _GCH):
            chunks.append((ui_v, ci, ru_o, w * cb + ci * _GCH))
        for ci in range(cb // _GCH):
            chunks.append((vi_v, ci, rv_o, w * cb + ci * _GCH))
        for ci in range(cn // _GCH):
            chunks.append((ni_v, ci, rn_o, w * cn + ci * _GCH))

        k_per = _GCH // _CHUNK
        bufs = (buf_a, buf_b, buf_c)
        gsems = (sg_a, sg_b)
        wsems = (sw_a, sw_b, sw_c)
        nch = len(chunks)
        gdescs = [None] * nch
        wdescs = [None] * nch

        def fire(t):
            idx_v, ci, _, _ = chunks[t]
            gdescs[t] = [
                pltpu.async_copy(
                    f_h.at[idx_v.at[ci * k_per + i]],
                    bufs[t % 3].at[pl.ds(i * _CHUNK, _CHUNK)],
                    gsems[t % 2])
                for i in range(k_per)
            ]

        def writeback(t):
            _, _, out_h, base = chunks[t]
            for d in gdescs[t]:
                d.wait()
            wdescs[t] = pltpu.async_copy(
                bufs[t % 3], out_h.at[pl.ds(base, _GCH)], wsems[t % 3])

        fire(0)
        for t in range(1, nch):
            if t >= 3:
                wdescs[t - 3].wait()
            fire(t)
            writeback(t - 1)
        writeback(nch - 1)
        wdescs[nch - 2].wait()
        wdescs[nch - 1].wait()

    return k(u2, v2, n2, fused)


def _tc_body(ru_r, rv_r, rn_r, w1u_r, w1v_r, w2p_r, wp1m_r, wones_r,
             wp2m_r, b1_r, b2p_r, bp_r, p_r):
    w1v = w1v_r[...]
    w2p = w2p_r[...]
    wp1m = wp1m_r[...]
    b1 = b1_r[...]
    b2p = b2p_r[...]
    ru = ru_r[...]
    au = jnp.dot(ru, w1u_r[...], preferred_element_type=jnp.float32)

    p = jnp.zeros(p_r.shape, jnp.float32) + bp_r[0, 0]
    heads = [rv_r[...]] + [rn_r[j] for j in range(4)]
    for h, rows in enumerate(heads):
        h1 = jnp.maximum(
            au + jnp.dot(rows, w1v, preferred_element_type=jnp.float32)
            + b1, 0.0)
        h2p = jnp.maximum(
            jnp.dot(h1, w2p, preferred_element_type=jnp.float32) + b2p, 0.0)
        gmf_w = ru * jnp.roll(rows, -_EMB, axis=1) * wp1m
        p = (p
             + jnp.dot(gmf_w, wones_r[h],
                       preferred_element_type=jnp.float32)
             + jnp.dot(h2p, wp2m_r[h], preferred_element_type=jnp.float32))
    p_r[...] = p


def _tc_dense(ru, rv, rn, w1u, w1v, w2p, wp1m, wones, wp2m, b1, b2p, bp):
    B = ru.shape[0]
    blk = 4096
    nb = B // blk
    row_spec = pl.BlockSpec((blk, _FW), lambda i: (i, 0))
    neg_spec = pl.BlockSpec((4, blk, _FW), lambda i: (0, i, 0))

    def full(a):
        return pl.BlockSpec(a.shape, lambda i: (0,) * a.ndim)

    return pl.pallas_call(
        _tc_body,
        grid=(nb,),
        in_specs=[row_spec, row_spec, neg_spec,
                  full(w1u), full(w1v), full(w2p), full(wp1m), full(wones),
                  full(wp2m), full(b1), full(b2p), full(bp)],
        out_specs=pl.BlockSpec((blk, 8), lambda i: (i, 0)),
        out_shape=jax.ShapeDtypeStruct((B, 8), jnp.float32),
    )(ru, rv, rn.reshape(4, B, _FW), w1u, w1v, w2p, wp1m, wones, wp2m,
      b1, b2p, bp)


def kernel(u, v, n, gmf_u_emb, gmf_v_emb, u_emb, v_emb, W1, b1, W2, b2, Wp, bp):
    B = u.shape[0]
    nneg = n.shape[1]
    BN = B * nneg
    cb = B // _NW
    cn = BN // _NW
    u2 = u.astype(jnp.int32).reshape(_NW, cb // _CHUNK, _CHUNK)
    v2 = v.astype(jnp.int32).reshape(_NW, cb // _CHUNK, _CHUNK)
    n2 = n.astype(jnp.int32).T.reshape(_NW, cn // _CHUNK, _CHUNK)

    fused = _tc_fuse_tables(gmf_u_emb.T, gmf_v_emb.T, u_emb.T, v_emb.T)
    ru, rv, rn = _sc_gather(u2, v2, n2, fused, B, BN)

    w1u = jnp.zeros((_FW, _EMB), jnp.float32).at[2 * _EMB:3 * _EMB].set(
        W1[:_EMB])
    w1v = jnp.zeros((_FW, _EMB), jnp.float32).at[3 * _EMB:].set(W1[_EMB:])
    w2p = jnp.zeros((_EMB, _FW), jnp.float32).at[:, :16].set(W2)
    wp1m = jnp.zeros((1, _FW), jnp.float32).at[0, :_EMB].set(Wp[:_EMB, 0])
    wones = jnp.zeros((5, _FW, 8), jnp.float32).at[
        jnp.arange(5)[:, None], jnp.arange(_EMB)[None, :],
        jnp.arange(5)[:, None]].set(1.0)
    wp2m = jnp.zeros((5, _FW, 8), jnp.float32).at[
        jnp.arange(5)[:, None], jnp.arange(16)[None, :],
        jnp.arange(5)[:, None]].set(Wp[_EMB:, 0][None, :])
    b2p = jnp.zeros((1, _FW), jnp.float32).at[0, :16].set(b2)
    p = _tc_dense(ru, rv, rn, w1u, w1v, w2p, wp1m, wones, wp2m,
                  b1.reshape(1, _EMB), b2p, bp.reshape(1, 1))
    return (p[:, 0], p[:, 1:5].reshape(-1))

# --- scband reference (transcript-rebuilt; emitter-appended) ---
"""Pipeline reference for scband-ncf-2199023255922 (READ-ONLY COPY).

The authoritative reference and input builder live on the scoring server;
editing this copy changes nothing except your own understanding.
"""

import jax, jax.numpy as jnp
import numpy as np

NUM_USER = 1000000
NUM_ITEM = 1000000
EMB = 32
B = 16384
NNEG = 4


def setup_inputs(seed: int = 0) -> dict:
    key = jax.random.key(seed)
    ks = jax.random.split(key, 16)
    inp = {}
    inp['u'] = jax.random.randint(ks[0], (B,), 0, NUM_USER)
    inp['v'] = jax.random.randint(ks[1], (B,), 0, NUM_ITEM)
    inp['n'] = jax.random.randint(ks[2], (B, NNEG), 0, NUM_ITEM)
    # GMF embedding tables
    inp['gmf_u_emb'] = jax.random.normal(ks[3], (NUM_USER, EMB), dtype=jnp.float32) * 0.01
    inp['gmf_v_emb'] = jax.random.normal(ks[4], (NUM_ITEM, EMB), dtype=jnp.float32) * 0.01
    # MLP-branch embedding tables
    inp['u_emb'] = jax.random.normal(ks[5], (NUM_USER, EMB), dtype=jnp.float32) * 0.01
    inp['v_emb'] = jax.random.normal(ks[6], (NUM_ITEM, EMB), dtype=jnp.float32) * 0.01
    # MLP layers: [64 -> 32 -> 16]
    inp['W1'] = jax.random.normal(ks[7], (64, 32), dtype=jnp.float32) * (1.0 / np.sqrt(64))
    inp['b1'] = jnp.zeros((32,), dtype=jnp.float32)
    inp['W2'] = jax.random.normal(ks[8], (32, 16), dtype=jnp.float32) * (1.0 / np.sqrt(32))
    inp['b2'] = jnp.zeros((16,), dtype=jnp.float32)
    # predict layer: in = emb_dim + layers[-1] = 32 + 16 = 48
    inp['Wp'] = jax.random.normal(ks[9], (48, 1), dtype=jnp.float32) * (1.0 / np.sqrt(48))
    inp['bp'] = jnp.zeros((1,), dtype=jnp.float32)
    return inp


def reference(u, v, n, gmf_u_emb, gmf_v_emb, u_emb, v_emb, W1, b1, W2, b2, Wp, bp):
    # GMF branch (element-wise product of embeddings)
    gmf = gmf_u_emb[u] * gmf_v_emb[v]                     # [B, EMB]
    u_exp_idx = jnp.broadcast_to(u[:, None], n.shape)     # [B, NNEG]
    gmf_n = (gmf_u_emb[u_exp_idx] * gmf_v_emb[n]).reshape(-1, EMB)  # [B*NNEG, EMB]
    # MLP branch
    ue = u_emb[u]                                         # [B, EMB]
    ve = v_emb[v]                                         # [B, EMB]
    ne = v_emb[n]                                         # [B, NNEG, EMB]
    x = jnp.concatenate([ue, ve], axis=1)                 # [B, 2*EMB]
    x_n = jnp.concatenate([jnp.broadcast_to(ue[:, None, :], ne.shape), ne], axis=2)
    x_n = x_n.reshape(-1, 2 * EMB)                        # [B*NNEG, 2*EMB]

    def mlp(z):
        h = jax.nn.relu(z @ W1 + b1)
        # dropout(p=0.2) is identity at inference
        h = jax.nn.relu(h @ W2 + b2)
        return h

    h = mlp(x)
    h_n = mlp(x_n)
    pred = (jnp.concatenate([gmf, h], axis=1) @ Wp + bp).reshape(-1)       # [B]
    pred_n = (jnp.concatenate([gmf_n, h_n], axis=1) @ Wp + bp).reshape(-1) # [B*NNEG]
    return (pred, pred_n)

if __name__ == "__main__":
    import jax
    _d = setup_inputs()
    print(jax.jit(kernel)(*tuple(_d.values())))

</pallas_src>

<mosaic_0001>
#map = affine_map<(d0, d1) -> (0, 0, 0)>
#map1 = affine_map<(d0, d1) -> (0, 0)>
module attributes {stable_mosaic.version = 14 : i64} {
  func.func @k(%arg0: i32, %arg1: i32, %arg2: memref<32x4x128xi32, #tpu.memory_space<hbm>>, %arg3: memref<32x4x128xi32, #tpu.memory_space<hbm>>, %arg4: memref<32x16x128xi32, #tpu.memory_space<hbm>>, %arg5: memref<1000000x128xf32, #tpu.memory_space<hbm>>, %arg6: memref<16384x128xf32, #tpu.memory_space<hbm>>, %arg7: memref<16384x128xf32, #tpu.memory_space<hbm>>, %arg8: memref<65536x128xf32, #tpu.memory_space<hbm>>, %arg9: memref<4x128xi32, #tpu.memory_space<vmem>>, %arg10: memref<4x128xi32, #tpu.memory_space<vmem>>, %arg11: memref<16x128xi32, #tpu.memory_space<vmem>>, %arg12: memref<256x128xf32, #tpu.memory_space<vmem>>, %arg13: memref<256x128xf32, #tpu.memory_space<vmem>>, %arg14: memref<256x128xf32, #tpu.memory_space<vmem>>, %arg15: memref<!tpu.dma_semaphore, #tpu.memory_space<semaphore_mem>>, %arg16: memref<!tpu.dma_semaphore, #tpu.memory_space<semaphore_mem>>, %arg17: memref<!tpu.dma_semaphore, #tpu.memory_space<semaphore_mem>>, %arg18: memref<!tpu.dma_semaphore, #tpu.memory_space<semaphore_mem>>, %arg19: memref<!tpu.dma_semaphore, #tpu.memory_space<semaphore_mem>>) attributes {dimension_semantics = [#tpu.dimension_semantics<core_parallel>, #tpu.dimension_semantics<subcore_parallel>], iteration_bounds = array<i64: 2, 16>, scalar_prefetch = 0 : i64, scratch_operands = 11 : i64, tpu.core_type = #tpu.core_type<sc_vector_subcore>, window_params = [{transform_indices = #map}, {transform_indices = #map}, {transform_indices = #map}, {transform_indices = #map1}, {transform_indices = #map1}, {transform_indices = #map1}, {transform_indices = #map1}]} {
    %mul3A = arith.constant 2 : i32
    %mul3A_0 = arith.muli %arg1, %mul3A : i32
    %add3A = arith.addi %mul3A_0, %arg0 : i32
    "tpu.region"() ({
      %run_scoped3A = tpu.sem_alloc : memref<!tpu.dma_semaphore, #tpu.memory_space<semaphore_mem>>
      %dma_start3A_619 = arith.constant 0 : i32
      %dma_start3A_620 = arith.constant 0 : i32
      %dma_start3A_621 = tpu.memref_slice %arg2[%add3A, %dma_start3A_619, %dma_start3A_620] : memref<32x4x128xi32, #tpu.memory_space<hbm>> -> memref<1x4x128xi32, #tpu.memory_space<hbm>>
      %dma_start3A_622 = tpu.memref_squeeze %dma_start3A_621 : memref<1x4x128xi32, #tpu.memory_space<hbm>> -> memref<4x128xi32, #tpu.memory_space<hbm>>
      %dma_start3A_623 = arith.constant 0 : i32
      %dma_start3A_624 = arith.constant 0 : i32
      %dma_start3A_625 = tpu.memref_slice %arg2[%add3A, %dma_start3A_623, %dma_start3A_624] : memref<32x4x128xi32, #tpu.memory_space<hbm>> -> memref<1x4x128xi32, #tpu.memory_space<hbm>>
      %dma_start3A_626 = tpu.memref_squeeze %dma_start3A_625 : memref<1x4x128xi32, #tpu.memory_space<hbm>> -> memref<4x128xi32, #tpu.memory_space<hbm>>
      tpu.enqueue_dma source(%dma_start3A_626 : memref<4x128xi32, #tpu.memory_space<hbm>>) target(%arg9 : memref<4x128xi32, #tpu.memory_space<vmem>>) target_semaphore(%run_scoped3A : memref<!tpu.dma_semaphore, #tpu.memory_space<semaphore_mem>>)
      %dma_wait3A_627 = arith.constant 0 : i32
      %dma_wait3A_628 = arith.constant 0 : i32
      %dma_wait3A_629 = tpu.memref_slice %arg2[%add3A, %dma_wait3A_627, %dma_wait3A_628] : memref<32x4x128xi32, #tpu.memory_space<hbm>> -> memref<1x4x128xi32, #tpu.memory_space<hbm>>
      %dma_wait3A_630 = tpu.memref_squeeze %dma_wait3A_629 : memref<1x4x128xi32, #tpu.memory_space<hbm>> -> memref<4x128xi32, #tpu.memory_space<hbm>>
      %dma_wait3A_631 = arith.constant 0 : i32
      %dma_wait3A_632 = arith.constant 0 : i32
      %dma_wait3A_633 = tpu.memref_slice %arg2[%add3A, %dma_wait3A_631, %dma_wait3A_632] : memref<32x4x128xi32, #tpu.memory_space<hbm>> -> memref<1x4x128xi32, #tpu.memory_space<hbm>>
      %dma_wait3A_634 = tpu.memref_squeeze %dma_wait3A_633 : memref<1x4x128xi32, #tpu.memory_space<hbm>> -> memref<4x128xi32, #tpu.memory_space<hbm>>
      tpu.wait_dma2 semaphore(%run_scoped3A : memref<!tpu.dma_semaphore, #tpu.memory_space<semaphore_mem>>) src(%dma_wait3A_634 : memref<4x128xi32, #tpu.memory_space<hbm>>) dst(%arg9 : memref<4x128xi32, #tpu.memory_space<vmem>>)
      tpu.yield
    }) : () -> ()
    "tpu.region"() ({
      %run_scoped3A = tpu.sem_alloc : memref<!tpu.dma_semaphore, #tpu.memory_space<semaphore_mem>>
      %dma_start3A_619 = arith.constant 0 : i32
      %dma_start3A_620 = arith.constant 0 : i32
      %dma_start3A_621 = tpu.memref_slice %arg3[%add3A, %dma_start3A_619, %dma_start3A_620] : memref<32x4x128xi32, #tpu.memory_space<hbm>> -> memref<1x4x128xi32, #tpu.memory_space<hbm>>
      %dma_start3A_622 = tpu.memref_squeeze %dma_start3A_621 : memref<1x4x128xi32, #tpu.memory_space<hbm>> -> memref<4x128xi32, #tpu.memory_space<hbm>>
      %dma_start3A_623 = arith.constant 0 : i32
      %dma_start3A_624 = arith.constant 0 : i32
      %dma_start3A_625 = tpu.memref_slice %arg3[%add3A, %dma_start3A_623, %dma_start3A_624] : memref<32x4x128xi32, #tpu.memory_space<hbm>> -> memref<1x4x128xi32, #tpu.memory_space<hbm>>
      %dma_start3A_626 = tpu.memref_squeeze %dma_start3A_625 : memref<1x4x128xi32, #tpu.memory_space<hbm>> -> memref<4x128xi32, #tpu.memory_space<hbm>>
      tpu.enqueue_dma source(%dma_start3A_626 : memref<4x128xi32, #tpu.memory_space<hbm>>) target(%arg10 : memref<4x128xi32, #tpu.memory_space<vmem>>) target_semaphore(%run_scoped3A : memref<!tpu.dma_semaphore, #tpu.memory_space<semaphore_mem>>)
      %dma_wait3A_627 = arith.constant 0 : i32
      %dma_wait3A_628 = arith.constant 0 : i32
      %dma_wait3A_629 = tpu.memref_slice %arg3[%add3A, %dma_wait3A_627, %dma_wait3A_628] : memref<32x4x128xi32, #tpu.memory_space<hbm>> -> memref<1x4x128xi32, #tpu.memory_space<hbm>>
      %dma_wait3A_630 = tpu.memref_squeeze %dma_wait3A_629 : memref<1x4x128xi32, #tpu.memory_space<hbm>> -> memref<4x128xi32, #tpu.memory_space<hbm>>
      %dma_wait3A_631 = arith.constant 0 : i32
      %dma_wait3A_632 = arith.constant 0 : i32
      %dma_wait3A_633 = tpu.memref_slice %arg3[%add3A, %dma_wait3A_631, %dma_wait3A_632] : memref<32x4x128xi32, #tpu.memory_space<hbm>> -> memref<1x4x128xi32, #tpu.memory_space<hbm>>
      %dma_wait3A_634 = tpu.memref_squeeze %dma_wait3A_633 : memref<1x4x128xi32, #tpu.memory_space<hbm>> -> memref<4x128xi32, #tpu.memory_space<hbm>>
      tpu.wait_dma2 semaphore(%run_scoped3A : memref<!tpu.dma_semaphore, #tpu.memory_space<semaphore_mem>>) src(%dma_wait3A_634 : memref<4x128xi32, #tpu.memory_space<hbm>>) dst(%arg10 : memref<4x128xi32, #tpu.memory_space<vmem>>)
      tpu.yield
    }) : () -> ()
    "tpu.region"() ({
      %run_scoped3A = tpu.sem_alloc : memref<!tpu.dma_semaphore, #tpu.memory_space<semaphore_mem>>
      %dma_start3A_619 = arith.constant 0 : i32
      %dma_start3A_620 = arith.constant 0 : i32
      %dma_start3A_621 = tpu.memref_slice %arg4[%add3A, %dma_start3A_619, %dma_start3A_620] : memref<32x16x128xi32, #tpu.memory_space<hbm>> -> memref<1x16x128xi32, #tpu.memory_space<hbm>>
      %dma_start3A_622 = tpu.memref_squeeze %dma_start3A_621 : memref<1x16x128xi32, #tpu.memory_space<hbm>> -> memref<16x128xi32, #tpu.memory_space<hbm>>
      %dma_start3A_623 = arith.constant 0 : i32
      %dma_start3A_624 = arith.constant 0 : i32
      %dma_start3A_625 = tpu.memref_slice %arg4[%add3A, %dma_start3A_623, %dma_start3A_624] : memref<32x16x128xi32, #tpu.memory_space<hbm>> -> memref<1x16x128xi32, #tpu.memory_space<hbm>>
      %dma_start3A_626 = tpu.memref_squeeze %dma_start3A_625 : memref<1x16x128xi32, #tpu.memory_space<hbm>> -> memref<16x128xi32, #tpu.memory_space<hbm>>
      tpu.enqueue_dma source(%dma_start3A_626 : memref<16x128xi32, #tpu.memory_space<hbm>>) target(%arg11 : memref<16x128xi32, #tpu.memory_space<vmem>>) target_semaphore(%run_scoped3A : memref<!tpu.dma_semaphore, #tpu.memory_space<semaphore_mem>>)
      %dma_wait3A_627 = arith.constant 0 : i32
      %dma_wait3A_628 = arith.constant 0 : i32
      %dma_wait3A_629 = tpu.memref_slice %arg4[%add3A, %dma_wait3A_627, %dma_wait3A_628] : memref<32x16x128xi32, #tpu.memory_space<hbm>> -> memref<1x16x128xi32, #tpu.memory_space<hbm>>
      %dma_wait3A_630 = tpu.memref_squeeze %dma_wait3A_629 : memref<1x16x128xi32, #tpu.memory_space<hbm>> -> memref<16x128xi32, #tpu.memory_space<hbm>>
      %dma_wait3A_631 = arith.constant 0 : i32
      %dma_wait3A_632 = arith.constant 0 : i32
      %dma_wait3A_633 = tpu.memref_slice %arg4[%add3A, %dma_wait3A_631, %dma_wait3A_632] : memref<32x16x128xi32, #tpu.memory_space<hbm>> -> memref<1x16x128xi32, #tpu.memory_space<hbm>>
      %dma_wait3A_634 = tpu.memref_squeeze %dma_wait3A_633 : memref<1x16x128xi32, #tpu.memory_space<hbm>> -> memref<16x128xi32, #tpu.memory_space<hbm>>
      tpu.wait_dma2 semaphore(%run_scoped3A : memref<!tpu.dma_semaphore, #tpu.memory_space<semaphore_mem>>) src(%dma_wait3A_634 : memref<16x128xi32, #tpu.memory_space<hbm>>) dst(%arg11 : memref<16x128xi32, #tpu.memory_space<vmem>>)
      tpu.yield
    }) : () -> ()
    %mul3A_1 = arith.constant 512 : i32
    %mul3A_2 = arith.muli %add3A, %mul3A_1 : i32
    %add3A_3 = arith.constant 0 : i32
    %add3A_4 = arith.addi %mul3A_2, %add3A_3 : i32
    %mul3A_5 = arith.constant 512 : i32
    %mul3A_6 = arith.muli %add3A, %mul3A_5 : i32
    %add3A_7 = arith.constant 256 : i32
    %add3A_8 = arith.addi %mul3A_6, %add3A_7 : i32
    %mul3A_9 = arith.constant 512 : i32
    %mul3A_10 = arith.muli %add3A, %mul3A_9 : i32
    %add3A_11 = arith.constant 0 : i32
    %add3A_12 = arith.addi %mul3A_10, %add3A_11 : i32
    %mul3A_13 = arith.constant 512 : i32
    %mul3A_14 = arith.muli %add3A, %mul3A_13 : i32
    %add3A_15 = arith.constant 256 : i32
    %add3A_16 = arith.addi %mul3A_14, %add3A_15 : i32
    %mul3A_17 = arith.constant 2048 : i32
    %mul3A_18 = arith.muli %add3A, %mul3A_17 : i32
    %add3A_19 = arith.constant 0 : i32
    %add3A_20 = arith.addi %mul3A_18, %add3A_19 : i32
    %mul3A_21 = arith.constant 2048 : i32
    %mul3A_22 = arith.muli %add3A, %mul3A_21 : i32
    %add3A_23 = arith.constant 256 : i32
    %add3A_24 = arith.addi %mul3A_22, %add3A_23 : i32
    %mul3A_25 = arith.constant 2048 : i32
    %mul3A_26 = arith.muli %add3A, %mul3A_25 : i32
    %add3A_27 = arith.constant 512 : i32
    %add3A_28 = arith.addi %mul3A_26, %add3A_27 : i32
    %mul3A_29 = arith.constant 2048 : i32
    %mul3A_30 = arith.muli %add3A, %mul3A_29 : i32
    %add3A_31 = arith.constant 768 : i32
    %add3A_32 = arith.addi %mul3A_30, %add3A_31 : i32
    %mul3A_33 = arith.constant 2048 : i32
    %mul3A_34 = arith.muli %add3A, %mul3A_33 : i32
    %add3A_35 = arith.constant 1024 : i32
    %add3A_36 = arith.addi %mul3A_34, %add3A_35 : i32
    %mul3A_37 = arith.constant 2048 : i32
    %mul3A_38 = arith.muli %add3A, %mul3A_37 : i32
    %add3A_39 = arith.constant 1280 : i32
    %add3A_40 = arith.addi %mul3A_38, %add3A_39 : i32
    %mul3A_41 = arith.constant 2048 : i32
    %mul3A_42 = arith.muli %add3A, %mul3A_41 : i32
    %add3A_43 = arith.constant 1536 : i32
    %add3A_44 = arith.addi %mul3A_42, %add3A_43 : i32
    %mul3A_45 = arith.constant 2048 : i32
    %mul3A_46 = arith.muli %add3A, %mul3A_45 : i32
    %add3A_47 = arith.constant 1792 : i32
    %add3A_48 = arith.addi %mul3A_46, %add3A_47 : i32
    %dma_start3A = arith.constant 0 : i32
    %dma_start3A_49 = arith.constant 0 : i32
    %dma_start3A_50 = arith.constant 0 : i32
    %dma_start3A_51 = tpu.memref_slice %arg12[%dma_start3A_49, %dma_start3A_50] : memref<256x128xf32, #tpu.memory_space<vmem>> -> memref<128x128xf32, #tpu.memory_space<vmem>>
    %dma_start3A_52 = arith.constant 0 : i32
    %dma_start3A_53 = tpu.memref_slice %arg9[%dma_start3A, %dma_start3A_52] : memref<4x128xi32, #tpu.memory_space<vmem>> -> memref<1x128xi32, #tpu.memory_space<vmem>>
    %dma_start3A_54 = tpu.memref_squeeze %dma_start3A_53 : memref<1x128xi32, #tpu.memory_space<vmem>> -> memref<128xi32, #tpu.memory_space<vmem>>
    %dma_start3A_55 = arith.constant 0 : i32
    %dma_start3A_56 = arith.constant 0 : i32
    %dma_start3A_57 = tpu.memref_slice %arg5[%dma_start3A_55, %dma_start3A_56] : memref<1000000x128xf32, #tpu.memory_space<hbm>> -> memref<1000000x128xf32, #tpu.memory_space<hbm>>
    tpu.enqueue_indirect_dma source(%dma_start3A_57 : memref<1000000x128xf32, #tpu.memory_space<hbm>>) target(%dma_start3A_51 : memref<128x128xf32, #tpu.memory_space<vmem>>) offsets(%dma_start3A_54 : memref<128xi32, #tpu.memory_space<vmem>>) semaphore(%arg15 : memref<!tpu.dma_semaphore, #tpu.memory_space<semaphore_mem>>)
    %dma_start3A_58 = arith.constant 1 : i32
    %dma_start3A_59 = arith.constant 128 : i32
    %dma_start3A_60 = arith.constant 0 : i32
    %dma_start3A_61 = tpu.memref_slice %arg12[%dma_start3A_59, %dma_start3A_60] : memref<256x128xf32, #tpu.memory_space<vmem>> -> memref<128x128xf32, #tpu.memory_space<vmem>>
    %dma_start3A_62 = arith.constant 0 : i32
    %dma_start3A_63 = tpu.memref_slice %arg9[%dma_start3A_58, %dma_start3A_62] : memref<4x128xi32, #tpu.memory_space<vmem>> -> memref<1x128xi32, #tpu.memory_space<vmem>>
    %dma_start3A_64 = tpu.memref_squeeze %dma_start3A_63 : memref<1x128xi32, #tpu.memory_space<vmem>> -> memref<128xi32, #tpu.memory_space<vmem>>
    %dma_start3A_65 = arith.constant 0 : i32
    %dma_start3A_66 = arith.constant 0 : i32
    %dma_start3A_67 = tpu.memref_slice %arg5[%dma_start3A_65, %dma_start3A_66] : memref<1000000x128xf32, #tpu.memory_space<hbm>> -> memref<1000000x128xf32, #tpu.memory_space<hbm>>
    tpu.enqueue_indirect_dma source(%dma_start3A_67 : memref<1000000x128xf32, #tpu.memory_space<hbm>>) target(%dma_start3A_61 : memref<128x128xf32, #tpu.memory_space<vmem>>) offsets(%dma_start3A_64 : memref<128xi32, #tpu.memory_space<vmem>>) semaphore(%arg15 : memref<!tpu.dma_semaphore, #tpu.memory_space<semaphore_mem>>)
    %dma_start3A_68 = arith.constant 2 : i32
    %dma_start3A_69 = arith.constant 0 : i32
    %dma_start3A_70 = arith.constant 0 : i32
    %dma_start3A_71 = tpu.memref_slice %arg13[%dma_start3A_69, %dma_start3A_70] : memref<256x128xf32, #tpu.memory_space<vmem>> -> memref<128x128xf32, #tpu.memory_space<vmem>>
    %dma_start3A_72 = arith.constant 0 : i32
    %dma_start3A_73 = tpu.memref_slice %arg9[%dma_start3A_68, %dma_start3A_72] : memref<4x128xi32, #tpu.memory_space<vmem>> -> memref<1x128xi32, #tpu.memory_space<vmem>>
    %dma_start3A_74 = tpu.memref_squeeze %dma_start3A_73 : memref<1x128xi32, #tpu.memory_space<vmem>> -> memref<128xi32, #tpu.memory_space<vmem>>
    %dma_start3A_75 = arith.constant 0 : i32
    %dma_start3A_76 = arith.constant 0 : i32
    %dma_start3A_77 = tpu.memref_slice %arg5[%dma_start3A_75, %dma_start3A_76] : memref<1000000x128xf32, #tpu.memory_space<hbm>> -> memref<1000000x128xf32, #tpu.memory_space<hbm>>
    tpu.enqueue_indirect_dma source(%dma_start3A_77 : memref<1000000x128xf32, #tpu.memory_space<hbm>>) target(%dma_start3A_71 : memref<128x128xf32, #tpu.memory_space<vmem>>) offsets(%dma_start3A_74 : memref<128xi32, #tpu.memory_space<vmem>>) semaphore(%arg16 : memref<!tpu.dma_semaphore, #tpu.memory_space<semaphore_mem>>)
    %dma_start3A_78 = arith.constant 3 : i32
    %dma_start3A_79 = arith.constant 128 : i32
    %dma_start3A_80 = arith.constant 0 : i32
    %dma_start3A_81 = tpu.memref_slice %arg13[%dma_start3A_79, %dma_start3A_80] : memref<256x128xf32, #tpu.memory_space<vmem>> -> memref<128x128xf32, #tpu.memory_space<vmem>>
    %dma_start3A_82 = arith.constant 0 : i32
    %dma_start3A_83 = tpu.memref_slice %arg9[%dma_start3A_78, %dma_start3A_82] : memref<4x128xi32, #tpu.memory_space<vmem>> -> memref<1x128xi32, #tpu.memory_space<vmem>>
    %dma_start3A_84 = tpu.memref_squeeze %dma_start3A_83 : memref<1x128xi32, #tpu.memory_space<vmem>> -> memref<128xi32, #tpu.memory_space<vmem>>
    %dma_start3A_85 = arith.constant 0 : i32
    %dma_start3A_86 = arith.constant 0 : i32
    %dma_start3A_87 = tpu.memref_slice %arg5[%dma_start3A_85, %dma_start3A_86] : memref<1000000x128xf32, #tpu.memory_space<hbm>> -> memref<1000000x128xf32, #tpu.memory_space<hbm>>
    tpu.enqueue_indirect_dma source(%dma_start3A_87 : memref<1000000x128xf32, #tpu.memory_space<hbm>>) target(%dma_start3A_81 : memref<128x128xf32, #tpu.memory_space<vmem>>) offsets(%dma_start3A_84 : memref<128xi32, #tpu.memory_space<vmem>>) semaphore(%arg16 : memref<!tpu.dma_semaphore, #tpu.memory_space<semaphore_mem>>)
    %dma_wait3A = arith.constant 0 : i32
    %dma_wait3A_88 = arith.constant 0 : i32
    %dma_wait3A_89 = arith.constant 0 : i32
    %dma_wait3A_90 = tpu.memref_slice %arg12[%dma_wait3A_88, %dma_wait3A_89] : memref<256x128xf32, #tpu.memory_space<vmem>> -> memref<128x128xf32, #tpu.memory_space<vmem>>
    %dma_wait3A_91 = arith.constant 0 : i32
    %dma_wait3A_92 = tpu.memref_slice %arg9[%dma_wait3A, %dma_wait3A_91] : memref<4x128xi32, #tpu.memory_space<vmem>> -> memref<1x128xi32, #tpu.memory_space<vmem>>
    %dma_wait3A_93 = tpu.memref_squeeze %dma_wait3A_92 : memref<1x128xi32, #tpu.memory_space<vmem>> -> memref<128xi32, #tpu.memory_space<vmem>>
    %dma_wait3A_94 = arith.constant 0 : i32
    %dma_wait3A_95 = arith.constant 0 : i32
    %dma_wait3A_96 = tpu.memref_slice %arg5[%dma_wait3A_94, %dma_wait3A_95] : memref<1000000x128xf32, #tpu.memory_space<hbm>> -> memref<1000000x128xf32, #tpu.memory_space<hbm>>
    tpu.wait_indirect_dma semaphore(%arg15 : memref<!tpu.dma_semaphore, #tpu.memory_space<semaphore_mem>>) src(%dma_wait3A_96 : memref<1000000x128xf32, #tpu.memory_space<hbm>>) dst(%dma_wait3A_90 : memref<128x128xf32, #tpu.memory_space<vmem>>)
    %dma_wait3A_97 = arith.constant 1 : i32
    %dma_wait3A_98 = arith.constant 128 : i32
    %dma_wait3A_99 = arith.constant 0 : i32
    %dma_wait3A_100 = tpu.memref_slice %arg12[%dma_wait3A_98, %dma_wait3A_99] : memref<256x128xf32, #tpu.memory_space<vmem>> -> memref<128x128xf32, #tpu.memory_space<vmem>>
    %dma_wait3A_101 = arith.constant 0 : i32
    %dma_wait3A_102 = tpu.memref_slice %arg9[%dma_wait3A_97, %dma_wait3A_101] : memref<4x128xi32, #tpu.memory_space<vmem>> -> memref<1x128xi32, #tpu.memory_space<vmem>>
    %dma_wait3A_103 = tpu.memref_squeeze %dma_wait3A_102 : memref<1x128xi32, #tpu.memory_space<vmem>> -> memref<128xi32, #tpu.memory_space<vmem>>
    %dma_wait3A_104 = arith.constant 0 : i32
    %dma_wait3A_105 = arith.constant 0 : i32
    %dma_wait3A_106 = tpu.memref_slice %arg5[%dma_wait3A_104, %dma_wait3A_105] : memref<1000000x128xf32, #tpu.memory_space<hbm>> -> memref<1000000x128xf32, #tpu.memory_space<hbm>>
    tpu.wait_indirect_dma semaphore(%arg15 : memref<!tpu.dma_semaphore, #tpu.memory_space<semaphore_mem>>) src(%dma_wait3A_106 : memref<1000000x128xf32, #tpu.memory_space<hbm>>) dst(%dma_wait3A_100 : memref<128x128xf32, #tpu.memory_space<vmem>>)
    %dma_start3A_107 = arith.constant 0 : i32
    %dma_start3A_108 = tpu.memref_slice %arg6[%add3A_4, %dma_start3A_107] : memref<16384x128xf32, #tpu.memory_space<hbm>> -> memref<256x128xf32, #tpu.memory_space<hbm>>
    %dma_start3A_109 = arith.constant 0 : i32
    %dma_start3A_110 = tpu.memref_slice %arg6[%add3A_4, %dma_start3A_109] : memref<16384x128xf32, #tpu.memory_space<hbm>> -> memref<256x128xf32, #tpu.memory_space<hbm>>
    tpu.enqueue_dma source(%arg12 : memref<256x128xf32, #tpu.memory_space<vmem>>) target(%dma_start3A_110 : memref<256x128xf32, #tpu.memory_space<hbm>>) target_semaphore(%arg17 : memref<!tpu.dma_semaphore, #tpu.memory_space<semaphore_mem>>)
    %dma_start3A_111 = arith.constant 0 : i32
    %dma_start3A_112 = arith.constant 0 : i32
    %dma_start3A_113 = arith.constant 0 : i32
    %dma_start3A_114 = tpu.memref_slice %arg14[%dma_start3A_112, %dma_start3A_113] : memref<256x128xf32, #tpu.memory_space<vmem>> -> memref<128x128xf32, #tpu.memory_space<vmem>>
    %dma_start3A_115 = arith.constant 0 : i32
    %dma_start3A_116 = tpu.memref_slice %arg10[%dma_start3A_111, %dma_start3A_115] : memref<4x128xi32, #tpu.memory_space<vmem>> -> memref<1x128xi32, #tpu.memory_space<vmem>>
    %dma_start3A_117 = tpu.memref_squeeze %dma_start3A_116 : memref<1x128xi32, #tpu.memory_space<vmem>> -> memref<128xi32, #tpu.memory_space<vmem>>
    %dma_start3A_118 = arith.constant 0 : i32
    %dma_start3A_119 = arith.constant 0 : i32
    %dma_start3A_120 = tpu.memref_slice %arg5[%dma_start3A_118, %dma_start3A_119] : memref<1000000x128xf32, #tpu.memory_space<hbm>> -> memref<1000000x128xf32, #tpu.memory_space<hbm>>
    tpu.enqueue_indirect_dma source(%dma_start3A_120 : memref<1000000x128xf32, #tpu.memory_space<hbm>>) target(%dma_start3A_114 : memref<128x128xf32, #tpu.memory_space<vmem>>) offsets(%dma_start3A_117 : memref<128xi32, #tpu.memory_space<vmem>>) semaphore(%arg15 : memref<!tpu.dma_semaphore, #tpu.memory_space<semaphore_mem>>)
    %dma_start3A_121 = arith.constant 1 : i32
    %dma_start3A_122 = arith.constant 128 : i32
    %dma_start3A_123 = arith.constant 0 : i32
    %dma_start3A_124 = tpu.memref_slice %arg14[%dma_start3A_122, %dma_start3A_123] : memref<256x128xf32, #tpu.memory_space<vmem>> -> memref<128x128xf32, #tpu.memory_space<vmem>>
    %dma_start3A_125 = arith.constant 0 : i32
    %dma_start3A_126 = tpu.memref_slice %arg10[%dma_start3A_121, %dma_start3A_125] : memref<4x128xi32, #tpu.memory_space<vmem>> -> memref<1x128xi32, #tpu.memory_space<vmem>>
    %dma_start3A_127 = tpu.memref_squeeze %dma_start3A_126 : memref<1x128xi32, #tpu.memory_space<vmem>> -> memref<128xi32, #tpu.memory_space<vmem>>
    %dma_start3A_128 = arith.constant 0 : i32
    %dma_start3A_129 = arith.constant 0 : i32
    %dma_start3A_130 = tpu.memref_slice %arg5[%dma_start3A_128, %dma_start3A_129] : memref<1000000x128xf32, #tpu.memory_space<hbm>> -> memref<1000000x128xf32, #tpu.memory_space<hbm>>
    tpu.enqueue_indirect_dma source(%dma_start3A_130 : memref<1000000x128xf32, #tpu.memory_space<hbm>>) target(%dma_start3A_124 : memref<128x128xf32, #tpu.memory_space<vmem>>) offsets(%dma_start3A_127 : memref<128xi32, #tpu.memory_space<vmem>>) semaphore(%arg15 : memref<!tpu.dma_semaphore, #tpu.memory_space<semaphore_mem>>)
    %dma_wait3A_131 = arith.constant 2 : i32
    %dma_wait3A_132 = arith.constant 0 : i32
    %dma_wait3A_133 = arith.constant 0 : i32
    %dma_wait3A_134 = tpu.memref_slice %arg13[%dma_wait3A_132, %dma_wait3A_133] : memref<256x128xf32, #tpu.memory_space<vmem>> -> memref<128x128xf32, #tpu.memory_space<vmem>>
    %dma_wait3A_135 = arith.constant 0 : i32
    %dma_wait3A_136 = tpu.memref_slice %arg9[%dma_wait3A_131, %dma_wait3A_135] : memref<4x128xi32, #tpu.memory_space<vmem>> -> memref<1x128xi32, #tpu.memory_space<vmem>>
    %dma_wait3A_137 = tpu.memref_squeeze %dma_wait3A_136 : memref<1x128xi32, #tpu.memory_space<vmem>> -> memref<128xi32, #tpu.memory_space<vmem>>
    %dma_wait3A_138 = arith.constant 0 : i32
    %dma_wait3A_139 = arith.constant 0 : i32
    %dma_wait3A_140 = tpu.memref_slice %arg5[%dma_wait3A_138, %dma_wait3A_139] : memref<1000000x128xf32, #tpu.memory_space<hbm>> -> memref<1000000x128xf32, #tpu.memory_space<hbm>>
    tpu.wait_indirect_dma semaphore(%arg16 : memref<!tpu.dma_semaphore, #tpu.memory_space<semaphore_mem>>) src(%dma_wait3A_140 : memref<1000000x128xf32, #tpu.memory_space<hbm>>) dst(%dma_wait3A_134 : memref<128x128xf32, #tpu.memory_space<vmem>>)
    %dma_wait3A_141 = arith.constant 3 : i32
    %dma_wait3A_142 = arith.constant 128 : i32
    %dma_wait3A_143 = arith.constant 0 : i32
    %dma_wait3A_144 = tpu.memref_slice %arg13[%dma_wait3A_142, %dma_wait3A_143] : memref<256x128xf32, #tpu.memory_space<vmem>> -> memref<128x128xf32, #tpu.memory_space<vmem>>
    %dma_wait3A_145 = arith.constant 0 : i32
    %dma_wait3A_146 = tpu.memref_slice %arg9[%dma_wait3A_141, %dma_wait3A_145] : memref<4x128xi32, #tpu.memory_space<vmem>> -> memref<1x128xi32, #tpu.memory_space<vmem>>
    %dma_wait3A_147 = tpu.memref_squeeze %dma_wait3A_146 : memref<1x128xi32, #tpu.memory_space<vmem>> -> memref<128xi32, #tpu.memory_space<vmem>>
    %dma_wait3A_148 = arith.constant 0 : i32
    %dma_wait3A_149 = arith.constant 0 : i32
    %dma_wait3A_150 = tpu.memref_slice %arg5[%dma_wait3A_148, %dma_wait3A_149] : memref<1000000x128xf32, #tpu.memory_space<hbm>> -> memref<1000000x128xf32, #tpu.memory_space<hbm>>
    tpu.wait_indirect_dma semaphore(%arg16 : memref<!tpu.dma_semaphore, #tpu.memory_space<semaphore_mem>>) src(%dma_wait3A_150 : memref<1000000x128xf32, #tpu.memory_space<hbm>>) dst(%dma_wait3A_144 : memref<128x128xf32, #tpu.memory_space<vmem>>)
    %dma_start3A_151 = arith.constant 0 : i32
    %dma_start3A_152 = tpu.memref_slice %arg6[%add3A_8, %dma_start3A_151] : memref<16384x128xf32, #tpu.memory_space<hbm>> -> memref<256x128xf32, #tpu.memory_space<hbm>>
    %dma_start3A_153 = arith.constant 0 : i32
    %dma_start3A_154 = tpu.memref_slice %arg6[%add3A_8, %dma_start3A_153] : memref<16384x128xf32, #tpu.memory_space<hbm>> -> memref<256x128xf32, #tpu.memory_space<hbm>>
    tpu.enqueue_dma source(%arg13 : memref<256x128xf32, #tpu.memory_space<vmem>>) target(%dma_start3A_154 : memref<256x128xf32, #tpu.memory_space<hbm>>) target_semaphore(%arg18 : memref<!tpu.dma_semaphore, #tpu.memory_space<semaphore_mem>>)
    %dma_wait3A_155 = arith.constant 0 : i32
    %dma_wait3A_156 = tpu.memref_slice %arg6[%add3A_4, %dma_wait3A_155] : memref<16384x128xf32, #tpu.memory_space<hbm>> -> memref<256x128xf32, #tpu.memory_space<hbm>>
    %dma_wait3A_157 = arith.constant 0 : i32
    %dma_wait3A_158 = tpu.memref_slice %arg6[%add3A_4, %dma_wait3A_157] : memref<16384x128xf32, #tpu.memory_space<hbm>> -> memref<256x128xf32, #tpu.memory_space<hbm>>
    tpu.wait_dma2 semaphore(%arg17 : memref<!tpu.dma_semaphore, #tpu.memory_space<semaphore_mem>>) src(%arg12 : memref<256x128xf32, #tpu.memory_space<vmem>>) dst(%dma_wait3A_158 : memref<256x128xf32, #tpu.memory_space<hbm>>)
    %dma_start3A_159 = arith.constant 2 : i32
    %dma_start3A_160 = arith.constant 0 : i32
    %dma_start3A_161 = arith.constant 0 : i32
    %dma_start3A_162 = tpu.memref_slice %arg12[%dma_start3A_160, %dma_start3A_161] : memref<256x128xf32, #tpu.memory_space<vmem>> -> memref<128x128xf32, #tpu.memory_space<vmem>>
    %dma_start3A_163 = arith.constant 0 : i32
    %dma_start3A_164 = tpu.memref_slice %arg10[%dma_start3A_159, %dma_start3A_163] : memref<4x128xi32, #tpu.memory_space<vmem>> -> memref<1x128xi32, #tpu.memory_space<vmem>>
    %dma_start3A_165 = tpu.memref_squeeze %dma_start3A_164 : memref<1x128xi32, #tpu.memory_space<vmem>> -> memref<128xi32, #tpu.memory_space<vmem>>
    %dma_start3A_166 = arith.constant 0 : i32
    %dma_start3A_167 = arith.constant 0 : i32
    %dma_start3A_168 = tpu.memref_slice %arg5[%dma_start3A_166, %dma_start3A_167] : memref<1000000x128xf32, #tpu.memory_space<hbm>> -> memref<1000000x128xf32, #tpu.memory_space<hbm>>
    tpu.enqueue_indirect_dma source(%dma_start3A_168 : memref<1000000x128xf32, #tpu.memory_space<hbm>>) target(%dma_start3A_162 : memref<128x128xf32, #tpu.memory_space<vmem>>) offsets(%dma_start3A_165 : memref<128xi32, #tpu.memory_space<vmem>>) semaphore(%arg16 : memref<!tpu.dma_semaphore, #tpu.memory_space<semaphore_mem>>)
    %dma_start3A_169 = arith.constant 3 : i32
    %dma_start3A_170 = arith.constant 128 : i32
    %dma_start3A_171 = arith.constant 0 : i32
    %dma_start3A_172 = tpu.memref_slice %arg12[%dma_start3A_170, %dma_start3A_171] : memref<256x128xf32, #tpu.memory_space<vmem>> -> memref<128x128xf32, #tpu.memory_space<vmem>>
    %dma_start3A_173 = arith.constant 0 : i32
    %dma_start3A_174 = tpu.memref_slice %arg10[%dma_start3A_169, %dma_start3A_173] : memref<4x128xi32, #tpu.memory_space<vmem>> -> memref<1x128xi32, #tpu.memory_space<vmem>>
    %dma_start3A_175 = tpu.memref_squeeze %dma_start3A_174 : memref<1x128xi32, #tpu.memory_space<vmem>> -> memref<128xi32, #tpu.memory_space<vmem>>
    %dma_start3A_176 = arith.constant 0 : i32
    %dma_start3A_177 = arith.constant 0 : i32
    %dma_start3A_178 = tpu.memref_slice %arg5[%dma_start3A_176, %dma_start3A_177] : memref<1000000x128xf32, #tpu.memory_space<hbm>> -> memref<1000000x128xf32, #tpu.memory_space<hbm>>
    tpu.enqueue_indirect_dma source(%dma_start3A_178 : memref<1000000x128xf32, #tpu.memory_space<hbm>>) target(%dma_start3A_172 : memref<128x128xf32, #tpu.memory_space<vmem>>) offsets(%dma_start3A_175 : memref<128xi32, #tpu.memory_space<vmem>>) semaphore(%arg16 : memref<!tpu.dma_semaphore, #tpu.memory_space<semaphore_mem>>)
    %dma_wait3A_179 = arith.constant 0 : i32
    %dma_wait3A_180 = arith.constant 0 : i32
    %dma_wait3A_181 = arith.constant 0 : i32
    %dma_wait3A_182 = tpu.memref_slice %arg14[%dma_wait3A_180, %dma_wait3A_181] : memref<256x128xf32, #tpu.memory_space<vmem>> -> memref<128x128xf32, #tpu.memory_space<vmem>>
    %dma_wait3A_183 = arith.constant 0 : i32
    %dma_wait3A_184 = tpu.memref_slice %arg10[%dma_wait3A_179, %dma_wait3A_183] : memref<4x128xi32, #tpu.memory_space<vmem>> -> memref<1x128xi32, #tpu.memory_space<vmem>>
    %dma_wait3A_185 = tpu.memref_squeeze %dma_wait3A_184 : memref<1x128xi32, #tpu.memory_space<vmem>> -> memref<128xi32, #tpu.memory_space<vmem>>
    %dma_wait3A_186 = arith.constant 0 : i32
    %dma_wait3A_187 = arith.constant 0 : i32
    %dma_wait3A_188 = tpu.memref_slice %arg5[%dma_wait3A_186, %dma_wait3A_187] : memref<1000000x128xf32, #tpu.memory_space<hbm>> -> memref<1000000x128xf32, #tpu.memory_space<hbm>>
    tpu.wait_indirect_dma semaphore(%arg15 : memref<!tpu.dma_semaphore, #tpu.memory_space<semaphore_mem>>) src(%dma_wait3A_188 : memref<1000000x128xf32, #tpu.memory_space<hbm>>) dst(%dma_wait3A_182 : memref<128x128xf32, #tpu.memory_space<vmem>>)
    %dma_wait3A_189 = arith.constant 1 : i32
    %dma_wait3A_190 = arith.constant 128 : i32
    %dma_wait3A_191 = arith.constant 0 : i32
    %dma_wait3A_192 = tpu.memref_slice %arg14[%dma_wait3A_190, %dma_wait3A_191] : memref<256x128xf32, #tpu.memory_space<vmem>> -> memref<128x128xf32, #tpu.memory_space<vmem>>
    %dma_wait3A_193 = arith.constant 0 : i32
    %dma_wait3A_194 = tpu.memref_slice %arg10[%dma_wait3A_189, %dma_wait3A_193] : memref<4x128xi32, #tpu.memory_space<vmem>> -> memref<1x128xi32, #tpu.memory_space<vmem>>
    %dma_wait3A_195 = tpu.memref_squeeze %dma_wait3A_194 : memref<1x128xi32, #tpu.memory_space<vmem>> -> memref<128xi32, #tpu.memory_space<vmem>>
    %dma_wait3A_196 = arith.constant 0 : i32
    %dma_wait3A_197 = arith.constant 0 : i32
    %dma_wait3A_198 = tpu.memref_slice %arg5[%dma_wait3A_196, %dma_wait3A_197] : memref<1000000x128xf32, #tpu.memory_space<hbm>> -> memref<1000000x128xf32, #tpu.memory_space<hbm>>
    tpu.wait_indirect_dma semaphore(%arg15 : memref<!tpu.dma_semaphore, #tpu.memory_space<semaphore_mem>>) src(%dma_wait3A_198 : memref<1000000x128xf32, #tpu.memory_space<hbm>>) dst(%dma_wait3A_192 : memref<128x128xf32, #tpu.memory_space<vmem>>)
    %dma_start3A_199 = arith.constant 0 : i32
    %dma_start3A_200 = tpu.memref_slice %arg7[%add3A_12, %dma_start3A_199] : memref<16384x128xf32, #tpu.memory_space<hbm>> -> memref<256x128xf32, #tpu.memory_space<hbm>>
    %dma_start3A_201 = arith.constant 0 : i32
    %dma_start3A_202 = tpu.memref_slice %arg7[%add3A_12, %dma_start3A_201] : memref<16384x128xf32, #tpu.memory_space<hbm>> -> memref<256x128xf32, #tpu.memory_space<hbm>>
    tpu.enqueue_dma source(%arg14 : memref<256x128xf32, #tpu.memory_space<vmem>>) target(%dma_start3A_202 : memref<256x128xf32, #tpu.memory_space<hbm>>) target_semaphore(%arg19 : memref<!tpu.dma_semaphore, #tpu.memory_space<semaphore_mem>>)
    %dma_wait3A_203 = arith.constant 0 : i32
    %dma_wait3A_204 = tpu.memref_slice %arg6[%add3A_8, %dma_wait3A_203] : memref<16384x128xf32, #tpu.memory_space<hbm>> -> memref<256x128xf32, #tpu.memory_space<hbm>>
    %dma_wait3A_205 = arith.constant 0 : i32
    %dma_wait3A_206 = tpu.memref_slice %arg6[%add3A_8, %dma_wait3A_205] : memref<16384x128xf32, #tpu.memory_space<hbm>> -> memref<256x128xf32, #tpu.memory_space<hbm>>
    tpu.wait_dma2 semaphore(%arg18 : memref<!tpu.dma_semaphore, #tpu.memory_space<semaphore_mem>>) src(%arg13 : memref<256x128xf32, #tpu.memory_space<vmem>>) dst(%dma_wait3A_206 : memref<256x128xf32, #tpu.memory_space<hbm>>)
    %dma_start3A_207 = arith.constant 0 : i32
    %dma_start3A_208 = arith.constant 0 : i32
    %dma_start3A_209 = arith.constant 0 : i32
    %dma_start3A_210 = tpu.memref_slice %arg13[%dma_start3A_208, %dma_start3A_209] : memref<256x128xf32, #tpu.memory_space<vmem>> -> memref<128x128xf32, #tpu.memory_space<vmem>>
    %dma_start3A_211 = arith.constant 0 : i32
    %dma_start3A_212 = tpu.memref_slice %arg11[%dma_start3A_207, %dma_start3A_211] : memref<16x128xi32, #tpu.memory_space<vmem>> -> memref<1x128xi32, #tpu.memory_space<vmem>>
    %dma_start3A_213 = tpu.memref_squeeze %dma_start3A_212 : memref<1x128xi32, #tpu.memory_space<vmem>> -> memref<128xi32, #tpu.memory_space<vmem>>
    %dma_start3A_214 = arith.constant 0 : i32
    %dma_start3A_215 = arith.constant 0 : i32
    %dma_start3A_216 = tpu.memref_slice %arg5[%dma_start3A_214, %dma_start3A_215] : memref<1000000x128xf32, #tpu.memory_space<hbm>> -> memref<1000000x128xf32, #tpu.memory_space<hbm>>
    tpu.enqueue_indirect_dma source(%dma_start3A_216 : memref<1000000x128xf32, #tpu.memory_space<hbm>>) target(%dma_start3A_210 : memref<128x128xf32, #tpu.memory_space<vmem>>) offsets(%dma_start3A_213 : memref<128xi32, #tpu.memory_space<vmem>>) semaphore(%arg15 : memref<!tpu.dma_semaphore, #tpu.memory_space<semaphore_mem>>)
    %dma_start3A_217 = arith.constant 1 : i32
    %dma_start3A_218 = arith.constant 128 : i32
    %dma_start3A_219 = arith.constant 0 : i32
    %dma_start3A_220 = tpu.memref_slice %arg13[%dma_start3A_218, %dma_start3A_219] : memref<256x128xf32, #tpu.memory_space<vmem>> -> memref<128x128xf32, #tpu.memory_space<vmem>>
    %dma_start3A_221 = arith.constant 0 : i32
    %dma_start3A_222 = tpu.memref_slice %arg11[%dma_start3A_217, %dma_start3A_221] : memref<16x128xi32, #tpu.memory_space<vmem>> -> memref<1x128xi32, #tpu.memory_space<vmem>>
    %dma_start3A_223 = tpu.memref_squeeze %dma_start3A_222 : memref<1x128xi32, #tpu.memory_space<vmem>> -> memref<128xi32, #tpu.memory_space<vmem>>
    %dma_start3A_224 = arith.constant 0 : i32
    %dma_start3A_225 = arith.constant 0 : i32
    %dma_start3A_226 = tpu.memref_slice %arg5[%dma_start3A_224, %dma_start3A_225] : memref<1000000x128xf32, #tpu.memory_space<hbm>> -> memref<1000000x128xf32, #tpu.memory_space<hbm>>
    tpu.enqueue_indirect_dma source(%dma_start3A_226 : memref<1000000x128xf32, #tpu.memory_space<hbm>>) target(%dma_start3A_220 : memref<128x128xf32, #tpu.memory_space<vmem>>) offsets(%dma_start3A_223 : memref<128xi32, #tpu.memory_space<vmem>>) semaphore(%arg15 : memref<!tpu.dma_semaphore, #tpu.memory_space<semaphore_mem>>)
    %dma_wait3A_227 = arith.constant 2 : i32
    %dma_wait3A_228 = arith.constant 0 : i32
    %dma_wait3A_229 = arith.constant 0 : i32
    %dma_wait3A_230 = tpu.memref_slice %arg12[%dma_wait3A_228, %dma_wait3A_229] : memref<256x128xf32, #tpu.memory_space<vmem>> -> memref<128x128xf32, #tpu.memory_space<vmem>>
    %dma_wait3A_231 = arith.constant 0 : i32
    %dma_wait3A_232 = tpu.memref_slice %arg10[%dma_wait3A_227, %dma_wait3A_231] : memref<4x128xi32, #tpu.memory_space<vmem>> -> memref<1x128xi32, #tpu.memory_space<vmem>>
    %dma_wait3A_233 = tpu.memref_squeeze %dma_wait3A_232 : memref<1x128xi32, #tpu.memory_space<vmem>> -> memref<128xi32, #tpu.memory_space<vmem>>
    %dma_wait3A_234 = arith.constant 0 : i32
    %dma_wait3A_235 = arith.constant 0 : i32
    %dma_wait3A_236 = tpu.memref_slice %arg5[%dma_wait3A_234, %dma_wait3A_235] : memref<1000000x128xf32, #tpu.memory_space<hbm>> -> memref<1000000x128xf32, #tpu.memory_space<hbm>>
    tpu.wait_indirect_dma semaphore(%arg16 : memref<!tpu.dma_semaphore, #tpu.memory_space<semaphore_mem>>) src(%dma_wait3A_236 : memref<1000000x128xf32, #tpu.memory_space<hbm>>) dst(%dma_wait3A_230 : memref<128x128xf32, #tpu.memory_space<vmem>>)
    %dma_wait3A_237 = arith.constant 3 : i32
    %dma_wait3A_238 = arith.constant 128 : i32
    %dma_wait3A_239 = arith.constant 0 : i32
    %dma_wait3A_240 = tpu.memref_slice %arg12[%dma_wait3A_238, %dma_wait3A_239] : memref<256x128xf32, #tpu.memory_space<vmem>> -> memref<128x128xf32, #tpu.memory_space<vmem>>
    %dma_wait3A_241 = arith.constant 0 : i32
    %dma_wait3A_242 = tpu.memref_slice %arg10[%dma_wait3A_237, %dma_wait3A_241] : memref<4x128xi32, #tpu.memory_space<vmem>> -> memref<1x128xi32, #tpu.memory_space<vmem>>
    %dma_wait3A_243 = tpu.memref_squeeze %dma_wait3A_242 : memref<1x128xi32, #tpu.memory_space<vmem>> -> memref<128xi32, #tpu.memory_space<vmem>>
    %dma_wait3A_244 = arith.constant 0 : i32
    %dma_wait3A_245 = arith.constant 0 : i32
    %dma_wait3A_246 = tpu.memref_slice %arg5[%dma_wait3A_244, %dma_wait3A_245] : memref<1000000x128xf32, #tpu.memory_space<hbm>> -> memref<1000000x128xf32, #tpu.memory_space<hbm>>
    tpu.wait_indirect_dma semaphore(%arg16 : memref<!tpu.dma_semaphore, #tpu.memory_space<semaphore_mem>>) src(%dma_wait3A_246 : memref<1000000x128xf32, #tpu.memory_space<hbm>>) dst(%dma_wait3A_240 : memref<128x128xf32, #tpu.memory_space<vmem>>)
    %dma_start3A_247 = arith.constant 0 : i32
    %dma_start3A_248 = tpu.memref_slice %arg7[%add3A_16, %dma_start3A_247] : memref<16384x128xf32, #tpu.memory_space<hbm>> -> memref<256x128xf32, #tpu.memory_space<hbm>>
    %dma_start3A_249 = arith.constant 0 : i32
    %dma_start3A_250 = tpu.memref_slice %arg7[%add3A_16, %dma_start3A_249] : memref<16384x128xf32, #tpu.memory_space<hbm>> -> memref<256x128xf32, #tpu.memory_space<hbm>>
    tpu.enqueue_dma source(%arg12 : memref<256x128xf32, #tpu.memory_space<vmem>>) target(%dma_start3A_250 : memref<256x128xf32, #tpu.memory_space<hbm>>) target_semaphore(%arg17 : memref<!tpu.dma_semaphore, #tpu.memory_space<semaphore_mem>>)
    %dma_wait3A_251 = arith.constant 0 : i32
    %dma_wait3A_252 = tpu.memref_slice %arg7[%add3A_12, %dma_wait3A_251] : memref<16384x128xf32, #tpu.memory_space<hbm>> -> memref<256x128xf32, #tpu.memory_space<hbm>>
    %dma_wait3A_253 = arith.constant 0 : i32
    %dma_wait3A_254 = tpu.memref_slice %arg7[%add3A_12, %dma_wait3A_253] : memref<16384x128xf32, #tpu.memory_space<hbm>> -> memref<256x128xf32, #tpu.memory_space<hbm>>
    tpu.wait_dma2 semaphore(%arg19 : memref<!tpu.dma_semaphore, #tpu.memory_space<semaphore_mem>>) src(%arg14 : memref<256x128xf32, #tpu.memory_space<vmem>>) dst(%dma_wait3A_254 : memref<256x128xf32, #tpu.memory_space<hbm>>)
    %dma_start3A_255 = arith.constant 2 : i32
    %dma_start3A_256 = arith.constant 0 : i32
    %dma_start3A_257 = arith.constant 0 : i32
    %dma_start3A_258 = tpu.memref_slice %arg14[%dma_start3A_256, %dma_start3A_257] : memref<256x128xf32, #tpu.memory_space<vmem>> -> memref<128x128xf32, #tpu.memory_space<vmem>>
    %dma_start3A_259 = arith.constant 0 : i32
    %dma_start3A_260 = tpu.memref_slice %arg11[%dma_start3A_255, %dma_start3A_259] : memref<16x128xi32, #tpu.memory_space<vmem>> -> memref<1x128xi32, #tpu.memory_space<vmem>>
    %dma_start3A_261 = tpu.memref_squeeze %dma_start3A_260 : memref<1x128xi32, #tpu.memory_space<vmem>> -> memref<128xi32, #tpu.memory_space<vmem>>
    %dma_start3A_262 = arith.constant 0 : i32
    %dma_start3A_263 = arith.constant 0 : i32
    %dma_start3A_264 = tpu.memref_slice %arg5[%dma_start3A_262, %dma_start3A_263] : memref<1000000x128xf32, #tpu.memory_space<hbm>> -> memref<1000000x128xf32, #tpu.memory_space<hbm>>
    tpu.enqueue_indirect_dma source(%dma_start3A_264 : memref<1000000x128xf32, #tpu.memory_space<hbm>>) target(%dma_start3A_258 : memref<128x128xf32, #tpu.memory_space<vmem>>) offsets(%dma_start3A_261 : memref<128xi32, #tpu.memory_space<vmem>>) semaphore(%arg16 : memref<!tpu.dma_semaphore, #tpu.memory_space<semaphore_mem>>)
    %dma_start3A_265 = arith.constant 3 : i32
    %dma_start3A_266 = arith.constant 128 : i32
    %dma_start3A_267 = arith.constant 0 : i32
    %dma_start3A_268 = tpu.memref_slice %arg14[%dma_start3A_266, %dma_start3A_267] : memref<256x128xf32, #tpu.memory_space<vmem>> -> memref<128x128xf32, #tpu.memory_space<vmem>>
    %dma_start3A_269 = arith.constant 0 : i32
    %dma_start3A_270 = tpu.memref_slice %arg11[%dma_start3A_265, %dma_start3A_269] : memref<16x128xi32, #tpu.memory_space<vmem>> -> memref<1x128xi32, #tpu.memory_space<vmem>>
    %dma_start3A_271 = tpu.memref_squeeze %dma_start3A_270 : memref<1x128xi32, #tpu.memory_space<vmem>> -> memref<128xi32, #tpu.memory_space<vmem>>
    %dma_start3A_272 = arith.constant 0 : i32
    %dma_start3A_273 = arith.constant 0 : i32
    %dma_start3A_274 = tpu.memref_slice %arg5[%dma_start3A_272, %dma_start3A_273] : memref<1000000x128xf32, #tpu.memory_space<hbm>> -> memref<1000000x128xf32, #tpu.memory_space<hbm>>
    tpu.enqueue_indirect_dma source(%dma_start3A_274 : memref<1000000x128xf32, #tpu.memory_space<hbm>>) target(%dma_start3A_268 : memref<128x128xf32, #tpu.memory_space<vmem>>) offsets(%dma_start3A_271 : memref<128xi32, #tpu.memory_space<vmem>>) semaphore(%arg16 : memref<!tpu.dma_semaphore, #tpu.memory_space<semaphore_mem>>)
    %dma_wait3A_275 = arith.constant 0 : i32
    %dma_wait3A_276 = arith.constant 0 : i32
    %dma_wait3A_277 = arith.constant 0 : i32
    %dma_wait3A_278 = tpu.memref_slice %arg13[%dma_wait3A_276, %dma_wait3A_277] : memref<256x128xf32, #tpu.memory_space<vmem>> -> memref<128x128xf32, #tpu.memory_space<vmem>>
    %dma_wait3A_279 = arith.constant 0 : i32
    %dma_wait3A_280 = tpu.memref_slice %arg11[%dma_wait3A_275, %dma_wait3A_279] : memref<16x128xi32, #tpu.memory_space<vmem>> -> memref<1x128xi32, #tpu.memory_space<vmem>>
    %dma_wait3A_281 = tpu.memref_squeeze %dma_wait3A_280 : memref<1x128xi32, #tpu.memory_space<vmem>> -> memref<128xi32, #tpu.memory_space<vmem>>
    %dma_wait3A_282 = arith.constant 0 : i32
    %dma_wait3A_283 = arith.constant 0 : i32
    %dma_wait3A_284 = tpu.memref_slice %arg5[%dma_wait3A_282, %dma_wait3A_283] : memref<1000000x128xf32, #tpu.memory_space<hbm>> -> memref<1000000x128xf32, #tpu.memory_space<hbm>>
    tpu.wait_indirect_dma semaphore(%arg15 : memref<!tpu.dma_semaphore, #tpu.memory_space<semaphore_mem>>) src(%dma_wait3A_284 : memref<1000000x128xf32, #tpu.memory_space<hbm>>) dst(%dma_wait3A_278 : memref<128x128xf32, #tpu.memory_space<vmem>>)
    %dma_wait3A_285 = arith.constant 1 : i32
    %dma_wait3A_286 = arith.constant 128 : i32
    %dma_wait3A_287 = arith.constant 0 : i32
    %dma_wait3A_288 = tpu.memref_slice %arg13[%dma_wait3A_286, %dma_wait3A_287] : memref<256x128xf32, #tpu.memory_space<vmem>> -> memref<128x128xf32, #tpu.memory_space<vmem>>
    %dma_wait3A_289 = arith.constant 0 : i32
    %dma_wait3A_290 = tpu.memref_slice %arg11[%dma_wait3A_285, %dma_wait3A_289] : memref<16x128xi32, #tpu.memory_space<vmem>> -> memref<1x128xi32, #tpu.memory_space<vmem>>
    %dma_wait3A_291 = tpu.memref_squeeze %dma_wait3A_290 : memref<1x128xi32, #tpu.memory_space<vmem>> -> memref<128xi32, #tpu.memory_space<vmem>>
    %dma_wait3A_292 = arith.constant 0 : i32
    %dma_wait3A_293 = arith.constant 0 : i32
    %dma_wait3A_294 = tpu.memref_slice %arg5[%dma_wait3A_292, %dma_wait3A_293] : memref<1000000x128xf32, #tpu.memory_space<hbm>> -> memref<1000000x128xf32, #tpu.memory_space<hbm>>
    tpu.wait_indirect_dma semaphore(%arg15 : memref<!tpu.dma_semaphore, #tpu.memory_space<semaphore_mem>>) src(%dma_wait3A_294 : memref<1000000x128xf32, #tpu.memory_space<hbm>>) dst(%dma_wait3A_288 : memref<128x128xf32, #tpu.memory_space<vmem>>)
    %dma_start3A_295 = arith.constant 0 : i32
    %dma_start3A_296 = tpu.memref_slice %arg8[%add3A_20, %dma_start3A_295] : memref<65536x128xf32, #tpu.memory_space<hbm>> -> memref<256x128xf32, #tpu.memory_space<hbm>>
    %dma_start3A_297 = arith.constant 0 : i32
    %dma_start3A_298 = tpu.memref_slice %arg8[%add3A_20, %dma_start3A_297] : memref<65536x128xf32, #tpu.memory_space<hbm>> -> memref<256x128xf32, #tpu.memory_space<hbm>>
    tpu.enqueue_dma source(%arg13 : memref<256x128xf32, #tpu.memory_space<vmem>>) target(%dma_start3A_298 : memref<256x128xf32, #tpu.memory_space<hbm>>) target_semaphore(%arg18 : memref<!tpu.dma_semaphore, #tpu.memory_space<semaphore_mem>>)
    %dma_wait3A_299 = arith.constant 0 : i32
    %dma_wait3A_300 = tpu.memref_slice %arg7[%add3A_16, %dma_wait3A_299] : memref<16384x128xf32, #tpu.memory_space<hbm>> -> memref<256x128xf32, #tpu.memory_space<hbm>>
    %dma_wait3A_301 = arith.constant 0 : i32
    %dma_wait3A_302 = tpu.memref_slice %arg7[%add3A_16, %dma_wait3A_301] : memref<16384x128xf32, #tpu.memory_space<hbm>> -> memref<256x128xf32, #tpu.memory_space<hbm>>
    tpu.wait_dma2 semaphore(%arg17 : memref<!tpu.dma_semaphore, #tpu.memory_space<semaphore_mem>>) src(%arg12 : memref<256x128xf32, #tpu.memory_space<vmem>>) dst(%dma_wait3A_302 : memref<256x128xf32, #tpu.memory_space<hbm>>)
    %dma_start3A_303 = arith.constant 4 : i32
    %dma_start3A_304 = arith.constant 0 : i32
    %dma_start3A_305 = arith.constant 0 : i32
    %dma_start3A_306 = tpu.memref_slice %arg12[%dma_start3A_304, %dma_start3A_305] : memref<256x128xf32, #tpu.memory_space<vmem>> -> memref<128x128xf32, #tpu.memory_space<vmem>>
    %dma_start3A_307 = arith.constant 0 : i32
    %dma_start3A_308 = tpu.memref_slice %arg11[%dma_start3A_303, %dma_start3A_307] : memref<16x128xi32, #tpu.memory_space<vmem>> -> memref<1x128xi32, #tpu.memory_space<vmem>>
    %dma_start3A_309 = tpu.memref_squeeze %dma_start3A_308 : memref<1x128xi32, #tpu.memory_space<vmem>> -> memref<128xi32, #tpu.memory_space<vmem>>
    %dma_start3A_310 = arith.constant 0 : i32
    %dma_start3A_311 = arith.constant 0 : i32
    %dma_start3A_312 = tpu.memref_slice %arg5[%dma_start3A_310, %dma_start3A_311] : memref<1000000x128xf32, #tpu.memory_space<hbm>> -> memref<1000000x128xf32, #tpu.memory_space<hbm>>
    tpu.enqueue_indirect_dma source(%dma_start3A_312 : memref<1000000x128xf32, #tpu.memory_space<hbm>>) target(%dma_start3A_306 : memref<128x128xf32, #tpu.memory_space<vmem>>) offsets(%dma_start3A_309 : memref<128xi32, #tpu.memory_space<vmem>>) semaphore(%arg15 : memref<!tpu.dma_semaphore, #tpu.memory_space<semaphore_mem>>)
    %dma_start3A_313 = arith.constant 5 : i32
    %dma_start3A_314 = arith.constant 128 : i32
    %dma_start3A_315 = arith.constant 0 : i32
    %dma_start3A_316 = tpu.memref_slice %arg12[%dma_start3A_314, %dma_start3A_315] : memref<256x128xf32, #tpu.memory_space<vmem>> -> memref<128x128xf32, #tpu.memory_space<vmem>>
    %dma_start3A_317 = arith.constant 0 : i32
    %dma_start3A_318 = tpu.memref_slice %arg11[%dma_start3A_313, %dma_start3A_317] : memref<16x128xi32, #tpu.memory_space<vmem>> -> memref<1x128xi32, #tpu.memory_space<vmem>>
    %dma_start3A_319 = tpu.memref_squeeze %dma_start3A_318 : memref<1x128xi32, #tpu.memory_space<vmem>> -> memref<128xi32, #tpu.memory_space<vmem>>
    %dma_start3A_320 = arith.constant 0 : i32
    %dma_start3A_321 = arith.constant 0 : i32
    %dma_start3A_322 = tpu.memref_slice %arg5[%dma_start3A_320, %dma_start3A_321] : memref<1000000x128xf32, #tpu.memory_space<hbm>> -> memref<1000000x128xf32, #tpu.memory_space<hbm>>
    tpu.enqueue_indirect_dma source(%dma_start3A_322 : memref<1000000x128xf32, #tpu.memory_space<hbm>>) target(%dma_start3A_316 : memref<128x128xf32, #tpu.memory_space<vmem>>) offsets(%dma_start3A_319 : memref<128xi32, #tpu.memory_space<vmem>>) semaphore(%arg15 : memref<!tpu.dma_semaphore, #tpu.memory_space<semaphore_mem>>)
    %dma_wait3A_323 = arith.constant 2 : i32
    %dma_wait3A_324 = arith.constant 0 : i32
    %dma_wait3A_325 = arith.constant 0 : i32
    %dma_wait3A_326 = tpu.memref_slice %arg14[%dma_wait3A_324, %dma_wait3A_325] : memref<256x128xf32, #tpu.memory_space<vmem>> -> memref<128x128xf32, #tpu.memory_space<vmem>>
    %dma_wait3A_327 = arith.constant 0 : i32
    %dma_wait3A_328 = tpu.memref_slice %arg11[%dma_wait3A_323, %dma_wait3A_327] : memref<16x128xi32, #tpu.memory_space<vmem>> -> memref<1x128xi32, #tpu.memory_space<vmem>>
    %dma_wait3A_329 = tpu.memref_squeeze %dma_wait3A_328 : memref<1x128xi32, #tpu.memory_space<vmem>> -> memref<128xi32, #tpu.memory_space<vmem>>
    %dma_wait3A_330 = arith.constant 0 : i32
    %dma_wait3A_331 = arith.constant 0 : i32
    %dma_wait3A_332 = tpu.memref_slice %arg5[%dma_wait3A_330, %dma_wait3A_331] : memref<1000000x128xf32, #tpu.memory_space<hbm>> -> memref<1000000x128xf32, #tpu.memory_space<hbm>>
    tpu.wait_indirect_dma semaphore(%arg16 : memref<!tpu.dma_semaphore, #tpu.memory_space<semaphore_mem>>) src(%dma_wait3A_332 : memref<1000000x128xf32, #tpu.memory_space<hbm>>) dst(%dma_wait3A_326 : memref<128x128xf32, #tpu.memory_space<vmem>>)
    %dma_wait3A_333 = arith.constant 3 : i32
    %dma_wait3A_334 = arith.constant 128 : i32
    %dma_wait3A_335 = arith.constant 0 : i32
    %dma_wait3A_336 = tpu.memref_slice %arg14[%dma_wait3A_334, %dma_wait3A_335] : memref<256x128xf32, #tpu.memory_space<vmem>> -> memref<128x128xf32, #tpu.memory_space<vmem>>
    %dma_wait3A_337 = arith.constant 0 : i32
    %dma_wait3A_338 = tpu.memref_slice %arg11[%dma_wait3A_333, %dma_wait3A_337] : memref<16x128xi32, #tpu.memory_space<vmem>> -> memref<1x128xi32, #tpu.memory_space<vmem>>
    %dma_wait3A_339 = tpu.memref_squeeze %dma_wait3A_338 : memref<1x128xi32, #tpu.memory_space<vmem>> -> memref<128xi32, #tpu.memory_space<vmem>>
    %dma_wait3A_340 = arith.constant 0 : i32
    %dma_wait3A_341 = arith.constant 0 : i32
    %dma_wait3A_342 = tpu.memref_slice %arg5[%dma_wait3A_340, %dma_wait3A_341] : memref<1000000x128xf32, #tpu.memory_space<hbm>> -> memref<1000000x128xf32, #tpu.memory_space<hbm>>
    tpu.wait_indirect_dma semaphore(%arg16 : memref<!tpu.dma_semaphore, #tpu.memory_space<semaphore_mem>>) src(%dma_wait3A_342 : memref<1000000x128xf32, #tpu.memory_space<hbm>>) dst(%dma_wait3A_336 : memref<128x128xf32, #tpu.memory_space<vmem>>)
    %dma_start3A_343 = arith.constant 0 : i32
    %dma_start3A_344 = tpu.memref_slice %arg8[%add3A_24, %dma_start3A_343] : memref<65536x128xf32, #tpu.memory_space<hbm>> -> memref<256x128xf32, #tpu.memory_space<hbm>>
    %dma_start3A_345 = arith.constant 0 : i32
    %dma_start3A_346 = tpu.memref_slice %arg8[%add3A_24, %dma_start3A_345] : memref<65536x128xf32, #tpu.memory_space<hbm>> -> memref<256x128xf32, #tpu.memory_space<hbm>>
    tpu.enqueue_dma source(%arg14 : memref<256x128xf32, #tpu.memory_space<vmem>>) target(%dma_start3A_346 : memref<256x128xf32, #tpu.memory_space<hbm>>) target_semaphore(%arg19 : memref<!tpu.dma_semaphore, #tpu.memory_space<semaphore_mem>>)
    %dma_wait3A_347 = arith.constant 0 : i32
    %dma_wait3A_348 = tpu.memref_slice %arg8[%add3A_20, %dma_wait3A_347] : memref<65536x128xf32, #tpu.memory_space<hbm>> -> memref<256x128xf32, #tpu.memory_space<hbm>>
    %dma_wait3A_349 = arith.constant 0 : i32
    %dma_wait3A_350 = tpu.memref_slice %arg8[%add3A_20, %dma_wait3A_349] : memref<65536x128xf32, #tpu.memory_space<hbm>> -> memref<256x128xf32, #tpu.memory_space<hbm>>
    tpu.wait_dma2 semaphore(%arg18 : memref<!tpu.dma_semaphore, #tpu.memory_space<semaphore_mem>>) src(%arg13 : memref<256x128xf32, #tpu.memory_space<vmem>>) dst(%dma_wait3A_350 : memref<256x128xf32, #tpu.memory_space<hbm>>)
    %dma_start3A_351 = arith.constant 6 : i32
    %dma_start3A_352 = arith.constant 0 : i32
    %dma_start3A_353 = arith.constant 0 : i32
    %dma_start3A_354 = tpu.memref_slice %arg13[%dma_start3A_352, %dma_start3A_353] : memref<256x128xf32, #tpu.memory_space<vmem>> -> memref<128x128xf32, #tpu.memory_space<vmem>>
    %dma_start3A_355 = arith.constant 0 : i32
    %dma_start3A_356 = tpu.memref_slice %arg11[%dma_start3A_351, %dma_start3A_355] : memref<16x128xi32, #tpu.memory_space<vmem>> -> memref<1x128xi32, #tpu.memory_space<vmem>>
    %dma_start3A_357 = tpu.memref_squeeze %dma_start3A_356 : memref<1x128xi32, #tpu.memory_space<vmem>> -> memref<128xi32, #tpu.memory_space<vmem>>
    %dma_start3A_358 = arith.constant 0 : i32
    %dma_start3A_359 = arith.constant 0 : i32
    %dma_start3A_360 = tpu.memref_slice %arg5[%dma_start3A_358, %dma_start3A_359] : memref<1000000x128xf32, #tpu.memory_space<hbm>> -> memref<1000000x128xf32, #tpu.memory_space<hbm>>
    tpu.enqueue_indirect_dma source(%dma_start3A_360 : memref<1000000x128xf32, #tpu.memory_space<hbm>>) target(%dma_start3A_354 : memref<128x128xf32, #tpu.memory_space<vmem>>) offsets(%dma_start3A_357 : memref<128xi32, #tpu.memory_space<vmem>>) semaphore(%arg16 : memref<!tpu.dma_semaphore, #tpu.memory_space<semaphore_mem>>)
    %dma_start3A_361 = arith.constant 7 : i32
    %dma_start3A_362 = arith.constant 128 : i32
    %dma_start3A_363 = arith.constant 0 : i32
    %dma_start3A_364 = tpu.memref_slice %arg13[%dma_start3A_362, %dma_start3A_363] : memref<256x128xf32, #tpu.memory_space<vmem>> -> memref<128x128xf32, #tpu.memory_space<vmem>>
    %dma_start3A_365 = arith.constant 0 : i32
    %dma_start3A_366 = tpu.memref_slice %arg11[%dma_start3A_361, %dma_start3A_365] : memref<16x128xi32, #tpu.memory_space<vmem>> -> memref<1x128xi32, #tpu.memory_space<vmem>>
    %dma_start3A_367 = tpu.memref_squeeze %dma_start3A_366 : memref<1x128xi32, #tpu.memory_space<vmem>> -> memref<128xi32, #tpu.memory_space<vmem>>
    %dma_start3A_368 = arith.constant 0 : i32
    %dma_start3A_369 = arith.constant 0 : i32
    %dma_start3A_370 = tpu.memref_slice %arg5[%dma_start3A_368, %dma_start3A_369] : memref<1000000x128xf32, #tpu.memory_space<hbm>> -> memref<1000000x128xf32, #tpu.memory_space<hbm>>
    tpu.enqueue_indirect_dma source(%dma_start3A_370 : memref<1000000x128xf32, #tpu.memory_space<hbm>>) target(%dma_start3A_364 : memref<128x128xf32, #tpu.memory_space<vmem>>) offsets(%dma_start3A_367 : memref<128xi32, #tpu.memory_space<vmem>>) semaphore(%arg16 : memref<!tpu.dma_semaphore, #tpu.memory_space<semaphore_mem>>)
    %dma_wait3A_371 = arith.constant 4 : i32
    %dma_wait3A_372 = arith.constant 0 : i32
    %dma_wait3A_373 = arith.constant 0 : i32
    %dma_wait3A_374 = tpu.memref_slice %arg12[%dma_wait3A_372, %dma_wait3A_373] : memref<256x128xf32, #tpu.memory_space<vmem>> -> memref<128x128xf32, #tpu.memory_space<vmem>>
    %dma_wait3A_375 = arith.constant 0 : i32
    %dma_wait3A_376 = tpu.memref_slice %arg11[%dma_wait3A_371, %dma_wait3A_375] : memref<16x128xi32, #tpu.memory_space<vmem>> -> memref<1x128xi32, #tpu.memory_space<vmem>>
    %dma_wait3A_377 = tpu.memref_squeeze %dma_wait3A_376 : memref<1x128xi32, #tpu.memory_space<vmem>> -> memref<128xi32, #tpu.memory_space<vmem>>
    %dma_wait3A_378 = arith.constant 0 : i32
    %dma_wait3A_379 = arith.constant 0 : i32
    %dma_wait3A_380 = tpu.memref_slice %arg5[%dma_wait3A_378, %dma_wait3A_379] : memref<1000000x128xf32, #tpu.memory_space<hbm>> -> memref<1000000x128xf32, #tpu.memory_space<hbm>>
    tpu.wait_indirect_dma semaphore(%arg15 : memref<!tpu.dma_semaphore, #tpu.memory_space<semaphore_mem>>) src(%dma_wait3A_380 : memref<1000000x128xf32, #tpu.memory_space<hbm>>) dst(%dma_wait3A_374 : memref<128x128xf32, #tpu.memory_space<vmem>>)
    %dma_wait3A_381 = arith.constant 5 : i32
    %dma_wait3A_382 = arith.constant 128 : i32
    %dma_wait3A_383 = arith.constant 0 : i32
    %dma_wait3A_384 = tpu.memref_slice %arg12[%dma_wait3A_382, %dma_wait3A_383] : memref<256x128xf32, #tpu.memory_space<vmem>> -> memref<128x128xf32, #tpu.memory_space<vmem>>
    %dma_wait3A_385 = arith.constant 0 : i32
    %dma_wait3A_386 = tpu.memref_slice %arg11[%dma_wait3A_381, %dma_wait3A_385] : memref<16x128xi32, #tpu.memory_space<vmem>> -> memref<1x128xi32, #tpu.memory_space<vmem>>
    %dma_wait3A_387 = tpu.memref_squeeze %dma_wait3A_386 : memref<1x128xi32, #tpu.memory_space<vmem>> -> memref<128xi32, #tpu.memory_space<vmem>>
    %dma_wait3A_388 = arith.constant 0 : i32
    %dma_wait3A_389 = arith.constant 0 : i32
    %dma_wait3A_390 = tpu.memref_slice %arg5[%dma_wait3A_388, %dma_wait3A_389] : memref<1000000x128xf32, #tpu.memory_space<hbm>> -> memref<1000000x128xf32, #tpu.memory_space<hbm>>
    tpu.wait_indirect_dma semaphore(%arg15 : memref<!tpu.dma_semaphore, #tpu.memory_space<semaphore_mem>>) src(%dma_wait3A_390 : memref<1000000x128xf32, #tpu.memory_space<hbm>>) dst(%dma_wait3A_384 : memref<128x128xf32, #tpu.memory_space<vmem>>)
    %dma_start3A_391 = arith.constant 0 : i32
    %dma_start3A_392 = tpu.memref_slice %arg8[%add3A_28, %dma_start3A_391] : memref<65536x128xf32, #tpu.memory_space<hbm>> -> memref<256x128xf32, #tpu.memory_space<hbm>>
    %dma_start3A_393 = arith.constant 0 : i32
    %dma_start3A_394 = tpu.memref_slice %arg8[%add3A_28, %dma_start3A_393] : memref<65536x128xf32, #tpu.memory_space<hbm>> -> memref<256x128xf32, #tpu.memory_space<hbm>>
    tpu.enqueue_dma source(%arg12 : memref<256x128xf32, #tpu.memory_space<vmem>>) target(%dma_start3A_394 : memref<256x128xf32, #tpu.memory_space<hbm>>) target_semaphore(%arg17 : memref<!tpu.dma_semaphore, #tpu.memory_space<semaphore_mem>>)
    %dma_wait3A_395 = arith.constant 0 : i32
    %dma_wait3A_396 = tpu.memref_slice %arg8[%add3A_24, %dma_wait3A_395] : memref<65536x128xf32, #tpu.memory_space<hbm>> -> memref<256x128xf32, #tpu.memory_space<hbm>>
    %dma_wait3A_397 = arith.constant 0 : i32
    %dma_wait3A_398 = tpu.memref_slice %arg8[%add3A_24, %dma_wait3A_397] : memref<65536x128xf32, #tpu.memory_space<hbm>> -> memref<256x128xf32, #tpu.memory_space<hbm>>
    tpu.wait_dma2 semaphore(%arg19 : memref<!tpu.dma_semaphore, #tpu.memory_space<semaphore_mem>>) src(%arg14 : memref<256x128xf32, #tpu.memory_space<vmem>>) dst(%dma_wait3A_398 : memref<256x128xf32, #tpu.memory_space<hbm>>)
    %dma_start3A_399 = arith.constant 8 : i32
    %dma_start3A_400 = arith.constant 0 : i32
    %dma_start3A_401 = arith.constant 0 : i32
    %dma_start3A_402 = tpu.memref_slice %arg14[%dma_start3A_400, %dma_start3A_401] : memref<256x128xf32, #tpu.memory_space<vmem>> -> memref<128x128xf32, #tpu.memory_space<vmem>>
    %dma_start3A_403 = arith.constant 0 : i32
    %dma_start3A_404 = tpu.memref_slice %arg11[%dma_start3A_399, %dma_start3A_403] : memref<16x128xi32, #tpu.memory_space<vmem>> -> memref<1x128xi32, #tpu.memory_space<vmem>>
    %dma_start3A_405 = tpu.memref_squeeze %dma_start3A_404 : memref<1x128xi32, #tpu.memory_space<vmem>> -> memref<128xi32, #tpu.memory_space<vmem>>
    %dma_start3A_406 = arith.constant 0 : i32
    %dma_start3A_407 = arith.constant 0 : i32
    %dma_start3A_408 = tpu.memref_slice %arg5[%dma_start3A_406, %dma_start3A_407] : memref<1000000x128xf32, #tpu.memory_space<hbm>> -> memref<1000000x128xf32, #tpu.memory_space<hbm>>
    tpu.enqueue_indirect_dma source(%dma_start3A_408 : memref<1000000x128xf32, #tpu.memory_space<hbm>>) target(%dma_start3A_402 : memref<128x128xf32, #tpu.memory_space<vmem>>) offsets(%dma_start3A_405 : memref<128xi32, #tpu.memory_space<vmem>>) semaphore(%arg15 : memref<!tpu.dma_semaphore, #tpu.memory_space<semaphore_mem>>)
    %dma_start3A_409 = arith.constant 9 : i32
    %dma_start3A_410 = arith.constant 128 : i32
    %dma_start3A_411 = arith.constant 0 : i32
    %dma_start3A_412 = tpu.memref_slice %arg14[%dma_start3A_410, %dma_start3A_411] : memref<256x128xf32, #tpu.memory_space<vmem>> -> memref<128x128xf32, #tpu.memory_space<vmem>>
    %dma_start3A_413 = arith.constant 0 : i32
    %dma_start3A_414 = tpu.memref_slice %arg11[%dma_start3A_409, %dma_start3A_413] : memref<16x128xi32, #tpu.memory_space<vmem>> -> memref<1x128xi32, #tpu.memory_space<vmem>>
    %dma_start3A_415 = tpu.memref_squeeze %dma_start3A_414 : memref<1x128xi32, #tpu.memory_space<vmem>> -> memref<128xi32, #tpu.memory_space<vmem>>
    %dma_start3A_416 = arith.constant 0 : i32
    %dma_start3A_417 = arith.constant 0 : i32
    %dma_start3A_418 = tpu.memref_slice %arg5[%dma_start3A_416, %dma_start3A_417] : memref<1000000x128xf32, #tpu.memory_space<hbm>> -> memref<1000000x128xf32, #tpu.memory_space<hbm>>
    tpu.enqueue_indirect_dma source(%dma_start3A_418 : memref<1000000x128xf32, #tpu.memory_space<hbm>>) target(%dma_start3A_412 : memref<128x128xf32, #tpu.memory_space<vmem>>) offsets(%dma_start3A_415 : memref<128xi32, #tpu.memory_space<vmem>>) semaphore(%arg15 : memref<!tpu.dma_semaphore, #tpu.memory_space<semaphore_mem>>)
    %dma_wait3A_419 = arith.constant 6 : i32
    %dma_wait3A_420 = arith.constant 0 : i32
    %dma_wait3A_421 = arith.constant 0 : i32
    %dma_wait3A_422 = tpu.memref_slice %arg13[%dma_wait3A_420, %dma_wait3A_421] : memref<256x128xf32, #tpu.memory_space<vmem>> -> memref<128x128xf32, #tpu.memory_space<vmem>>
    %dma_wait3A_423 = arith.constant 0 : i32
    %dma_wait3A_424 = tpu.memref_slice %arg11[%dma_wait3A_419, %dma_wait3A_423] : memref<16x128xi32, #tpu.memory_space<vmem>> -> memref<1x128xi32, #tpu.memory_space<vmem>>
    %dma_wait3A_425 = tpu.memref_squeeze %dma_wait3A_424 : memref<1x128xi32, #tpu.memory_space<vmem>> -> memref<128xi32, #tpu.memory_space<vmem>>
    %dma_wait3A_426 = arith.constant 0 : i32
    %dma_wait3A_427 = arith.constant 0 : i32
    %dma_wait3A_428 = tpu.memref_slice %arg5[%dma_wait3A_426, %dma_wait3A_427] : memref<1000000x128xf32, #tpu.memory_space<hbm>> -> memref<1000000x128xf32, #tpu.memory_space<hbm>>
    tpu.wait_indirect_dma semaphore(%arg16 : memref<!tpu.dma_semaphore, #tpu.memory_space<semaphore_mem>>) src(%dma_wait3A_428 : memref<1000000x128xf32, #tpu.memory_space<hbm>>) dst(%dma_wait3A_422 : memref<128x128xf32, #tpu.memory_space<vmem>>)
    %dma_wait3A_429 = arith.constant 7 : i32
    %dma_wait3A_430 = arith.constant 128 : i32
    %dma_wait3A_431 = arith.constant 0 : i32
    %dma_wait3A_432 = tpu.memref_slice %arg13[%dma_wait3A_430, %dma_wait3A_431] : memref<256x128xf32, #tpu.memory_space<vmem>> -> memref<128x128xf32, #tpu.memory_space<vmem>>
    %dma_wait3A_433 = arith.constant 0 : i32
    %dma_wait3A_434 = tpu.memref_slice %arg11[%dma_wait3A_429, %dma_wait3A_433] : memref<16x128xi32, #tpu.memory_space<vmem>> -> memref<1x128xi32, #tpu.memory_space<vmem>>
    %dma_wait3A_435 = tpu.memref_squeeze %dma_wait3A_434 : memref<1x128xi32, #tpu.memory_space<vmem>> -> memref<128xi32, #tpu.memory_space<vmem>>
    %dma_wait3A_436 = arith.constant 0 : i32
    %dma_wait3A_437 = arith.constant 0 : i32
    %dma_wait3A_438 = tpu.memref_slice %arg5[%dma_wait3A_436, %dma_wait3A_437] : memref<1000000x128xf32, #tpu.memory_space<hbm>> -> memref<1000000x128xf32, #tpu.memory_space<hbm>>
    tpu.wait_indirect_dma semaphore(%arg16 : memref<!tpu.dma_semaphore, #tpu.memory_space<semaphore_mem>>) src(%dma_wait3A_438 : memref<1000000x128xf32, #tpu.memory_space<hbm>>) dst(%dma_wait3A_432 : memref<128x128xf32, #tpu.memory_space<vmem>>)
    %dma_start3A_439 = arith.constant 0 : i32
    %dma_start3A_440 = tpu.memref_slice %arg8[%add3A_32, %dma_start3A_439] : memref<65536x128xf32, #tpu.memory_space<hbm>> -> memref<256x128xf32, #tpu.memory_space<hbm>>
    %dma_start3A_441 = arith.constant 0 : i32
    %dma_start3A_442 = tpu.memref_slice %arg8[%add3A_32, %dma_start3A_441] : memref<65536x128xf32, #tpu.memory_space<hbm>> -> memref<256x128xf32, #tpu.memory_space<hbm>>
    tpu.enqueue_dma source(%arg13 : memref<256x128xf32, #tpu.memory_space<vmem>>) target(%dma_start3A_442 : memref<256x128xf32, #tpu.memory_space<hbm>>) target_semaphore(%arg18 : memref<!tpu.dma_semaphore, #tpu.memory_space<semaphore_mem>>)
    %dma_wait3A_443 = arith.constant 0 : i32
    %dma_wait3A_444 = tpu.memref_slice %arg8[%add3A_28, %dma_wait3A_443] : memref<65536x128xf32, #tpu.memory_space<hbm>> -> memref<256x128xf32, #tpu.memory_space<hbm>>
    %dma_wait3A_445 = arith.constant 0 : i32
    %dma_wait3A_446 = tpu.memref_slice %arg8[%add3A_28, %dma_wait3A_445] : memref<65536x128xf32, #tpu.memory_space<hbm>> -> memref<256x128xf32, #tpu.memory_space<hbm>>
    tpu.wait_dma2 semaphore(%arg17 : memref<!tpu.dma_semaphore, #tpu.memory_space<semaphore_mem>>) src(%arg12 : memref<256x128xf32, #tpu.memory_space<vmem>>) dst(%dma_wait3A_446 : memref<256x128xf32, #tpu.memory_space<hbm>>)
    %dma_start3A_447 = arith.constant 10 : i32
    %dma_start3A_448 = arith.constant 0 : i32
    %dma_start3A_449 = arith.constant 0 : i32
    %dma_start3A_450 = tpu.memref_slice %arg12[%dma_start3A_448, %dma_start3A_449] : memref<256x128xf32, #tpu.memory_space<vmem>> -> memref<128x128xf32, #tpu.memory_space<vmem>>
    %dma_start3A_451 = arith.constant 0 : i32
    %dma_start3A_452 = tpu.memref_slice %arg11[%dma_start3A_447, %dma_start3A_451] : memref<16x128xi32, #tpu.memory_space<vmem>> -> memref<1x128xi32, #tpu.memory_space<vmem>>
    %dma_start3A_453 = tpu.memref_squeeze %dma_start3A_452 : memref<1x128xi32, #tpu.memory_space<vmem>> -> memref<128xi32, #tpu.memory_space<vmem>>
    %dma_start3A_454 = arith.constant 0 : i32
    %dma_start3A_455 = arith.constant 0 : i32
    %dma_start3A_456 = tpu.memref_slice %arg5[%dma_start3A_454, %dma_start3A_455] : memref<1000000x128xf32, #tpu.memory_space<hbm>> -> memref<1000000x128xf32, #tpu.memory_space<hbm>>
    tpu.enqueue_indirect_dma source(%dma_start3A_456 : memref<1000000x128xf32, #tpu.memory_space<hbm>>) target(%dma_start3A_450 : memref<128x128xf32, #tpu.memory_space<vmem>>) offsets(%dma_start3A_453 : memref<128xi32, #tpu.memory_space<vmem>>) semaphore(%arg16 : memref<!tpu.dma_semaphore, #tpu.memory_space<semaphore_mem>>)
    %dma_start3A_457 = arith.constant 11 : i32
    %dma_start3A_458 = arith.constant 128 : i32
    %dma_start3A_459 = arith.constant 0 : i32
    %dma_start3A_460 = tpu.memref_slice %arg12[%dma_start3A_458, %dma_start3A_459] : memref<256x128xf32, #tpu.memory_space<vmem>> -> memref<128x128xf32, #tpu.memory_space<vmem>>
    %dma_start3A_461 = arith.constant 0 : i32
    %dma_start3A_462 = tpu.memref_slice %arg11[%dma_start3A_457, %dma_start3A_461] : memref<16x128xi32, #tpu.memory_space<vmem>> -> memref<1x128xi32, #tpu.memory_space<vmem>>
    %dma_start3A_463 = tpu.memref_squeeze %dma_start3A_462 : memref<1x128xi32, #tpu.memory_space<vmem>> -> memref<128xi32, #tpu.memory_space<vmem>>
    %dma_start3A_464 = arith.constant 0 : i32
    %dma_start3A_465 = arith.constant 0 : i32
    %dma_start3A_466 = tpu.memref_slice %arg5[%dma_start3A_464, %dma_start3A_465] : memref<1000000x128xf32, #tpu.memory_space<hbm>> -> memref<1000000x128xf32, #tpu.memory_space<hbm>>
    tpu.enqueue_indirect_dma source(%dma_start3A_466 : memref<1000000x128xf32, #tpu.memory_space<hbm>>) target(%dma_start3A_460 : memref<128x128xf32, #tpu.memory_space<vmem>>) offsets(%dma_start3A_463 : memref<128xi32, #tpu.memory_space<vmem>>) semaphore(%arg16 : memref<!tpu.dma_semaphore, #tpu.memory_space<semaphore_mem>>)
    %dma_wait3A_467 = arith.constant 8 : i32
    %dma_wait3A_468 = arith.constant 0 : i32
    %dma_wait3A_469 = arith.constant 0 : i32
    %dma_wait3A_470 = tpu.memref_slice %arg14[%dma_wait3A_468, %dma_wait3A_469] : memref<256x128xf32, #tpu.memory_space<vmem>> -> memref<128x128xf32, #tpu.memory_space<vmem>>
    %dma_wait3A_471 = arith.constant 0 : i32
    %dma_wait3A_472 = tpu.memref_slice %arg11[%dma_wait3A_467, %dma_wait3A_471] : memref<16x128xi32, #tpu.memory_space<vmem>> -> memref<1x128xi32, #tpu.memory_space<vmem>>
    %dma_wait3A_473 = tpu.memref_squeeze %dma_wait3A_472 : memref<1x128xi32, #tpu.memory_space<vmem>> -> memref<128xi32, #tpu.memory_space<vmem>>
    %dma_wait3A_474 = arith.constant 0 : i32
    %dma_wait3A_475 = arith.constant 0 : i32
    %dma_wait3A_476 = tpu.memref_slice %arg5[%dma_wait3A_474, %dma_wait3A_475] : memref<1000000x128xf32, #tpu.memory_space<hbm>> -> memref<1000000x128xf32, #tpu.memory_space<hbm>>
    tpu.wait_indirect_dma semaphore(%arg15 : memref<!tpu.dma_semaphore, #tpu.memory_space<semaphore_mem>>) src(%dma_wait3A_476 : memref<1000000x128xf32, #tpu.memory_space<hbm>>) dst(%dma_wait3A_470 : memref<128x128xf32, #tpu.memory_space<vmem>>)
    %dma_wait3A_477 = arith.constant 9 : i32
    %dma_wait3A_478 = arith.constant 128 : i32
    %dma_wait3A_479 = arith.constant 0 : i32
    %dma_wait3A_480 = tpu.memref_slice %arg14[%dma_wait3A_478, %dma_wait3A_479] : memref<256x128xf32, #tpu.memory_space<vmem>> -> memref<128x128xf32, #tpu.memory_space<vmem>>
    %dma_wait3A_481 = arith.constant 0 : i32
    %dma_wait3A_482 = tpu.memref_slice %arg11[%dma_wait3A_477, %dma_wait3A_481] : memref<16x128xi32, #tpu.memory_space<vmem>> -> memref<1x128xi32, #tpu.memory_space<vmem>>
    %dma_wait3A_483 = tpu.memref_squeeze %dma_wait3A_482 : memref<1x128xi32, #tpu.memory_space<vmem>> -> memref<128xi32, #tpu.memory_space<vmem>>
    %dma_wait3A_484 = arith.constant 0 : i32
    %dma_wait3A_485 = arith.constant 0 : i32
    %dma_wait3A_486 = tpu.memref_slice %arg5[%dma_wait3A_484, %dma_wait3A_485] : memref<1000000x128xf32, #tpu.memory_space<hbm>> -> memref<1000000x128xf32, #tpu.memory_space<hbm>>
    tpu.wait_indirect_dma semaphore(%arg15 : memref<!tpu.dma_semaphore, #tpu.memory_space<semaphore_mem>>) src(%dma_wait3A_486 : memref<1000000x128xf32, #tpu.memory_space<hbm>>) dst(%dma_wait3A_480 : memref<128x128xf32, #tpu.memory_space<vmem>>)
    %dma_start3A_487 = arith.constant 0 : i32
    %dma_start3A_488 = tpu.memref_slice %arg8[%add3A_36, %dma_start3A_487] : memref<65536x128xf32, #tpu.memory_space<hbm>> -> memref<256x128xf32, #tpu.memory_space<hbm>>
    %dma_start3A_489 = arith.constant 0 : i32
    %dma_start3A_490 = tpu.memref_slice %arg8[%add3A_36, %dma_start3A_489] : memref<65536x128xf32, #tpu.memory_space<hbm>> -> memref<256x128xf32, #tpu.memory_space<hbm>>
    tpu.enqueue_dma source(%arg14 : memref<256x128xf32, #tpu.memory_space<vmem>>) target(%dma_start3A_490 : memref<256x128xf32, #tpu.memory_space<hbm>>) target_semaphore(%arg19 : memref<!tpu.dma_semaphore, #tpu.memory_space<semaphore_mem>>)
    %dma_wait3A_491 = arith.constant 0 : i32
    %dma_wait3A_492 = tpu.memref_slice %arg8[%add3A_32, %dma_wait3A_491] : memref<65536x128xf32, #tpu.memory_space<hbm>> -> memref<256x128xf32, #tpu.memory_space<hbm>>
    %dma_wait3A_493 = arith.constant 0 : i32
    %dma_wait3A_494 = tpu.memref_slice %arg8[%add3A_32, %dma_wait3A_493] : memref<65536x128xf32, #tpu.memory_space<hbm>> -> memref<256x128xf32, #tpu.memory_space<hbm>>
    tpu.wait_dma2 semaphore(%arg18 : memref<!tpu.dma_semaphore, #tpu.memory_space<semaphore_mem>>) src(%arg13 : memref<256x128xf32, #tpu.memory_space<vmem>>) dst(%dma_wait3A_494 : memref<256x128xf32, #tpu.memory_space<hbm>>)
    %dma_start3A_495 = arith.constant 12 : i32
    %dma_start3A_496 = arith.constant 0 : i32
    %dma_start3A_497 = arith.constant 0 : i32
    %dma_start3A_498 = tpu.memref_slice %arg13[%dma_start3A_496, %dma_start3A_497] : memref<256x128xf32, #tpu.memory_space<vmem>> -> memref<128x128xf32, #tpu.memory_space<vmem>>
    %dma_start3A_499 = arith.constant 0 : i32
    %dma_start3A_500 = tpu.memref_slice %arg11[%dma_start3A_495, %dma_start3A_499] : memref<16x128xi32, #tpu.memory_space<vmem>> -> memref<1x128xi32, #tpu.memory_space<vmem>>
    %dma_start3A_501 = tpu.memref_squeeze %dma_start3A_500 : memref<1x128xi32, #tpu.memory_space<vmem>> -> memref<128xi32, #tpu.memory_space<vmem>>
    %dma_start3A_502 = arith.constant 0 : i32
    %dma_start3A_503 = arith.constant 0 : i32
    %dma_start3A_504 = tpu.memref_slice %arg5[%dma_start3A_502, %dma_start3A_503] : memref<1000000x128xf32, #tpu.memory_space<hbm>> -> memref<1000000x128xf32, #tpu.memory_space<hbm>>
    tpu.enqueue_indirect_dma source(%dma_start3A_504 : memref<1000000x128xf32, #tpu.memory_space<hbm>>) target(%dma_start3A_498 : memref<128x128xf32, #tpu.memory_space<vmem>>) offsets(%dma_start3A_501 : memref<128xi32, #tpu.memory_space<vmem>>) semaphore(%arg15 : memref<!tpu.dma_semaphore, #tpu.memory_space<semaphore_mem>>)
    %dma_start3A_505 = arith.constant 13 : i32
    %dma_start3A_506 = arith.constant 128 : i32
    %dma_start3A_507 = arith.constant 0 : i32
    %dma_start3A_508 = tpu.memref_slice %arg13[%dma_start3A_506, %dma_start3A_507] : memref<256x128xf32, #tpu.memory_space<vmem>> -> memref<128x128xf32, #tpu.memory_space<vmem>>
    %dma_start3A_509 = arith.constant 0 : i32
    %dma_start3A_510 = tpu.memref_slice %arg11[%dma_start3A_505, %dma_start3A_509] : memref<16x128xi32, #tpu.memory_space<vmem>> -> memref<1x128xi32, #tpu.memory_space<vmem>>
    %dma_start3A_511 = tpu.memref_squeeze %dma_start3A_510 : memref<1x128xi32, #tpu.memory_space<vmem>> -> memref<128xi32, #tpu.memory_space<vmem>>
    %dma_start3A_512 = arith.constant 0 : i32
    %dma_start3A_513 = arith.constant 0 : i32
    %dma_start3A_514 = tpu.memref_slice %arg5[%dma_start3A_512, %dma_start3A_513] : memref<1000000x128xf32, #tpu.memory_space<hbm>> -> memref<1000000x128xf32, #tpu.memory_space<hbm>>
    tpu.enqueue_indirect_dma source(%dma_start3A_514 : memref<1000000x128xf32, #tpu.memory_space<hbm>>) target(%dma_start3A_508 : memref<128x128xf32, #tpu.memory_space<vmem>>) offsets(%dma_start3A_511 : memref<128xi32, #tpu.memory_space<vmem>>) semaphore(%arg15 : memref<!tpu.dma_semaphore, #tpu.memory_space<semaphore_mem>>)
    %dma_wait3A_515 = arith.constant 10 : i32
    %dma_wait3A_516 = arith.constant 0 : i32
    %dma_wait3A_517 = arith.constant 0 : i32
    %dma_wait3A_518 = tpu.memref_slice %arg12[%dma_wait3A_516, %dma_wait3A_517] : memref<256x128xf32, #tpu.memory_space<vmem>> -> memref<128x128xf32, #tpu.memory_space<vmem>>
    %dma_wait3A_519 = arith.constant 0 : i32
    %dma_wait3A_520 = tpu.memref_slice %arg11[%dma_wait3A_515, %dma_wait3A_519] : memref<16x128xi32, #tpu.memory_space<vmem>> -> memref<1x128xi32, #tpu.memory_space<vmem>>
    %dma_wait3A_521 = tpu.memref_squeeze %dma_wait3A_520 : memref<1x128xi32, #tpu.memory_space<vmem>> -> memref<128xi32, #tpu.memory_space<vmem>>
    %dma_wait3A_522 = arith.constant 0 : i32
    %dma_wait3A_523 = arith.constant 0 : i32
    %dma_wait3A_524 = tpu.memref_slice %arg5[%dma_wait3A_522, %dma_wait3A_523] : memref<1000000x128xf32, #tpu.memory_space<hbm>> -> memref<1000000x128xf32, #tpu.memory_space<hbm>>
    tpu.wait_indirect_dma semaphore(%arg16 : memref<!tpu.dma_semaphore, #tpu.memory_space<semaphore_mem>>) src(%dma_wait3A_524 : memref<1000000x128xf32, #tpu.memory_space<hbm>>) dst(%dma_wait3A_518 : memref<128x128xf32, #tpu.memory_space<vmem>>)
    %dma_wait3A_525 = arith.constant 11 : i32
    %dma_wait3A_526 = arith.constant 128 : i32
    %dma_wait3A_527 = arith.constant 0 : i32
    %dma_wait3A_528 = tpu.memref_slice %arg12[%dma_wait3A_526, %dma_wait3A_527] : memref<256x128xf32, #tpu.memory_space<vmem>> -> memref<128x128xf32, #tpu.memory_space<vmem>>
    %dma_wait3A_529 = arith.constant 0 : i32
    %dma_wait3A_530 = tpu.memref_slice %arg11[%dma_wait3A_525, %dma_wait3A_529] : memref<16x128xi32, #tpu.memory_space<vmem>> -> memref<1x128xi32, #tpu.memory_space<vmem>>
    %dma_wait3A_531 = tpu.memref_squeeze %dma_wait3A_530 : memref<1x128xi32, #tpu.memory_space<vmem>> -> memref<128xi32, #tpu.memory_space<vmem>>
    %dma_wait3A_532 = arith.constant 0 : i32
    %dma_wait3A_533 = arith.constant 0 : i32
    %dma_wait3A_534 = tpu.memref_slice %arg5[%dma_wait3A_532, %dma_wait3A_533] : memref<1000000x128xf32, #tpu.memory_space<hbm>> -> memref<1000000x128xf32, #tpu.memory_space<hbm>>
    tpu.wait_indirect_dma semaphore(%arg16 : memref<!tpu.dma_semaphore, #tpu.memory_space<semaphore_mem>>) src(%dma_wait3A_534 : memref<1000000x128xf32, #tpu.memory_space<hbm>>) dst(%dma_wait3A_528 : memref<128x128xf32, #tpu.memory_space<vmem>>)
    %dma_start3A_535 = arith.constant 0 : i32
    %dma_start3A_536 = tpu.memref_slice %arg8[%add3A_40, %dma_start3A_535] : memref<65536x128xf32, #tpu.memory_space<hbm>> -> memref<256x128xf32, #tpu.memory_space<hbm>>
    %dma_start3A_537 = arith.constant 0 : i32
    %dma_start3A_538 = tpu.memref_slice %arg8[%add3A_40, %dma_start3A_537] : memref<65536x128xf32, #tpu.memory_space<hbm>> -> memref<256x128xf32, #tpu.memory_space<hbm>>
    tpu.enqueue_dma source(%arg12 : memref<256x128xf32, #tpu.memory_space<vmem>>) target(%dma_start3A_538 : memref<256x128xf32, #tpu.memory_space<hbm>>) target_semaphore(%arg17 : memref<!tpu.dma_semaphore, #tpu.memory_space<semaphore_mem>>)
    %dma_wait3A_539 = arith.constant 0 : i32
    %dma_wait3A_540 = tpu.memref_slice %arg8[%add3A_36, %dma_wait3A_539] : memref<65536x128xf32, #tpu.memory_space<hbm>> -> memref<256x128xf32, #tpu.memory_space<hbm>>
    %dma_wait3A_541 = arith.constant 0 : i32
    %dma_wait3A_542 = tpu.memref_slice %arg8[%add3A_36, %dma_wait3A_541] : memref<65536x128xf32, #tpu.memory_space<hbm>> -> memref<256x128xf32, #tpu.memory_space<hbm>>
    tpu.wait_dma2 semaphore(%arg19 : memref<!tpu.dma_semaphore, #tpu.memory_space<semaphore_mem>>) src(%arg14 : memref<256x128xf32, #tpu.memory_space<vmem>>) dst(%dma_wait3A_542 : memref<256x128xf32, #tpu.memory_space<hbm>>)
    %dma_start3A_543 = arith.constant 14 : i32
    %dma_start3A_544 = arith.constant 0 : i32
    %dma_start3A_545 = arith.constant 0 : i32
    %dma_start3A_546 = tpu.memref_slice %arg14[%dma_start3A_544, %dma_start3A_545] : memref<256x128xf32, #tpu.memory_space<vmem>> -> memref<128x128xf32, #tpu.memory_space<vmem>>
    %dma_start3A_547 = arith.constant 0 : i32
    %dma_start3A_548 = tpu.memref_slice %arg11[%dma_start3A_543, %dma_start3A_547] : memref<16x128xi32, #tpu.memory_space<vmem>> -> memref<1x128xi32, #tpu.memory_space<vmem>>
    %dma_start3A_549 = tpu.memref_squeeze %dma_start3A_548 : memref<1x128xi32, #tpu.memory_space<vmem>> -> memref<128xi32, #tpu.memory_space<vmem>>
    %dma_start3A_550 = arith.constant 0 : i32
    %dma_start3A_551 = arith.constant 0 : i32
    %dma_start3A_552 = tpu.memref_slice %arg5[%dma_start3A_550, %dma_start3A_551] : memref<1000000x128xf32, #tpu.memory_space<hbm>> -> memref<1000000x128xf32, #tpu.memory_space<hbm>>
    tpu.enqueue_indirect_dma source(%dma_start3A_552 : memref<1000000x128xf32, #tpu.memory_space<hbm>>) target(%dma_start3A_546 : memref<128x128xf32, #tpu.memory_space<vmem>>) offsets(%dma_start3A_549 : memref<128xi32, #tpu.memory_space<vmem>>) semaphore(%arg16 : memref<!tpu.dma_semaphore, #tpu.memory_space<semaphore_mem>>)
    %dma_start3A_553 = arith.constant 15 : i32
    %dma_start3A_554 = arith.constant 128 : i32
    %dma_start3A_555 = arith.constant 0 : i32
    %dma_start3A_556 = tpu.memref_slice %arg14[%dma_start3A_554, %dma_start3A_555] : memref<256x128xf32, #tpu.memory_space<vmem>> -> memref<128x128xf32, #tpu.memory_space<vmem>>
    %dma_start3A_557 = arith.constant 0 : i32
    %dma_start3A_558 = tpu.memref_slice %arg11[%dma_start3A_553, %dma_start3A_557] : memref<16x128xi32, #tpu.memory_space<vmem>> -> memref<1x128xi32, #tpu.memory_space<vmem>>
    %dma_start3A_559 = tpu.memref_squeeze %dma_start3A_558 : memref<1x128xi32, #tpu.memory_space<vmem>> -> memref<128xi32, #tpu.memory_space<vmem>>
    %dma_start3A_560 = arith.constant 0 : i32
    %dma_start3A_561 = arith.constant 0 : i32
    %dma_start3A_562 = tpu.memref_slice %arg5[%dma_start3A_560, %dma_start3A_561] : memref<1000000x128xf32, #tpu.memory_space<hbm>> -> memref<1000000x128xf32, #tpu.memory_space<hbm>>
    tpu.enqueue_indirect_dma source(%dma_start3A_562 : memref<1000000x128xf32, #tpu.memory_space<hbm>>) target(%dma_start3A_556 : memref<128x128xf32, #tpu.memory_space<vmem>>) offsets(%dma_start3A_559 : memref<128xi32, #tpu.memory_space<vmem>>) semaphore(%arg16 : memref<!tpu.dma_semaphore, #tpu.memory_space<semaphore_mem>>)
    %dma_wait3A_563 = arith.constant 12 : i32
    %dma_wait3A_564 = arith.constant 0 : i32
    %dma_wait3A_565 = arith.constant 0 : i32
    %dma_wait3A_566 = tpu.memref_slice %arg13[%dma_wait3A_564, %dma_wait3A_565] : memref<256x128xf32, #tpu.memory_space<vmem>> -> memref<128x128xf32, #tpu.memory_space<vmem>>
    %dma_wait3A_567 = arith.constant 0 : i32
    %dma_wait3A_568 = tpu.memref_slice %arg11[%dma_wait3A_563, %dma_wait3A_567] : memref<16x128xi32, #tpu.memory_space<vmem>> -> memref<1x128xi32, #tpu.memory_space<vmem>>
    %dma_wait3A_569 = tpu.memref_squeeze %dma_wait3A_568 : memref<1x128xi32, #tpu.memory_space<vmem>> -> memref<128xi32, #tpu.memory_space<vmem>>
    %dma_wait3A_570 = arith.constant 0 : i32
    %dma_wait3A_571 = arith.constant 0 : i32
    %dma_wait3A_572 = tpu.memref_slice %arg5[%dma_wait3A_570, %dma_wait3A_571] : memref<1000000x128xf32, #tpu.memory_space<hbm>> -> memref<1000000x128xf32, #tpu.memory_space<hbm>>
    tpu.wait_indirect_dma semaphore(%arg15 : memref<!tpu.dma_semaphore, #tpu.memory_space<semaphore_mem>>) src(%dma_wait3A_572 : memref<1000000x128xf32, #tpu.memory_space<hbm>>) dst(%dma_wait3A_566 : memref<128x128xf32, #tpu.memory_space<vmem>>)
    %dma_wait3A_573 = arith.constant 13 : i32
    %dma_wait3A_574 = arith.constant 128 : i32
    %dma_wait3A_575 = arith.constant 0 : i32
    %dma_wait3A_576 = tpu.memref_slice %arg13[%dma_wait3A_574, %dma_wait3A_575] : memref<256x128xf32, #tpu.memory_space<vmem>> -> memref<128x128xf32, #tpu.memory_space<vmem>>
    %dma_wait3A_577 = arith.constant 0 : i32
    %dma_wait3A_578 = tpu.memref_slice %arg11[%dma_wait3A_573, %dma_wait3A_577] : memref<16x128xi32, #tpu.memory_space<vmem>> -> memref<1x128xi32, #tpu.memory_space<vmem>>
    %dma_wait3A_579 = tpu.memref_squeeze %dma_wait3A_578 : memref<1x128xi32, #tpu.memory_space<vmem>> -> memref<128xi32, #tpu.memory_space<vmem>>
    %dma_wait3A_580 = arith.constant 0 : i32
    %dma_wait3A_581 = arith.constant 0 : i32
    %dma_wait3A_582 = tpu.memref_slice %arg5[%dma_wait3A_580, %dma_wait3A_581] : memref<1000000x128xf32, #tpu.memory_space<hbm>> -> memref<1000000x128xf32, #tpu.memory_space<hbm>>
    tpu.wait_indirect_dma semaphore(%arg15 : memref<!tpu.dma_semaphore, #tpu.memory_space<semaphore_mem>>) src(%dma_wait3A_582 : memref<1000000x128xf32, #tpu.memory_space<hbm>>) dst(%dma_wait3A_576 : memref<128x128xf32, #tpu.memory_space<vmem>>)
    %dma_start3A_583 = arith.constant 0 : i32
    %dma_start3A_584 = tpu.memref_slice %arg8[%add3A_44, %dma_start3A_583] : memref<65536x128xf32, #tpu.memory_space<hbm>> -> memref<256x128xf32, #tpu.memory_space<hbm>>
    %dma_start3A_585 = arith.constant 0 : i32
    %dma_start3A_586 = tpu.memref_slice %arg8[%add3A_44, %dma_start3A_585] : memref<65536x128xf32, #tpu.memory_space<hbm>> -> memref<256x128xf32, #tpu.memory_space<hbm>>
    tpu.enqueue_dma source(%arg13 : memref<256x128xf32, #tpu.memory_space<vmem>>) target(%dma_start3A_586 : memref<256x128xf32, #tpu.memory_space<hbm>>) target_semaphore(%arg18 : memref<!tpu.dma_semaphore, #tpu.memory_space<semaphore_mem>>)
    %dma_wait3A_587 = arith.constant 14 : i32
    %dma_wait3A_588 = arith.constant 0 : i32
    %dma_wait3A_589 = arith.constant 0 : i32
    %dma_wait3A_590 = tpu.memref_slice %arg14[%dma_wait3A_588, %dma_wait3A_589] : memref<256x128xf32, #tpu.memory_space<vmem>> -> memref<128x128xf32, #tpu.memory_space<vmem>>
    %dma_wait3A_591 = arith.constant 0 : i32
    %dma_wait3A_592 = tpu.memref_slice %arg11[%dma_wait3A_587, %dma_wait3A_591] : memref<16x128xi32, #tpu.memory_space<vmem>> -> memref<1x128xi32, #tpu.memory_space<vmem>>
    %dma_wait3A_593 = tpu.memref_squeeze %dma_wait3A_592 : memref<1x128xi32, #tpu.memory_space<vmem>> -> memref<128xi32, #tpu.memory_space<vmem>>
    %dma_wait3A_594 = arith.constant 0 : i32
    %dma_wait3A_595 = arith.constant 0 : i32
    %dma_wait3A_596 = tpu.memref_slice %arg5[%dma_wait3A_594, %dma_wait3A_595] : memref<1000000x128xf32, #tpu.memory_space<hbm>> -> memref<1000000x128xf32, #tpu.memory_space<hbm>>
    tpu.wait_indirect_dma semaphore(%arg16 : memref<!tpu.dma_semaphore, #tpu.memory_space<semaphore_mem>>) src(%dma_wait3A_596 : memref<1000000x128xf32, #tpu.memory_space<hbm>>) dst(%dma_wait3A_590 : memref<128x128xf32, #tpu.memory_space<vmem>>)
    %dma_wait3A_597 = arith.constant 15 : i32
    %dma_wait3A_598 = arith.constant 128 : i32
    %dma_wait3A_599 = arith.constant 0 : i32
    %dma_wait3A_600 = tpu.memref_slice %arg14[%dma_wait3A_598, %dma_wait3A_599] : memref<256x128xf32, #tpu.memory_space<vmem>> -> memref<128x128xf32, #tpu.memory_space<vmem>>
    %dma_wait3A_601 = arith.constant 0 : i32
    %dma_wait3A_602 = tpu.memref_slice %arg11[%dma_wait3A_597, %dma_wait3A_601] : memref<16x128xi32, #tpu.memory_space<vmem>> -> memref<1x128xi32, #tpu.memory_space<vmem>>
    %dma_wait3A_603 = tpu.memref_squeeze %dma_wait3A_602 : memref<1x128xi32, #tpu.memory_space<vmem>> -> memref<128xi32, #tpu.memory_space<vmem>>
    %dma_wait3A_604 = arith.constant 0 : i32
    %dma_wait3A_605 = arith.constant 0 : i32
    %dma_wait3A_606 = tpu.memref_slice %arg5[%dma_wait3A_604, %dma_wait3A_605] : memref<1000000x128xf32, #tpu.memory_space<hbm>> -> memref<1000000x128xf32, #tpu.memory_space<hbm>>
    tpu.wait_indirect_dma semaphore(%arg16 : memref<!tpu.dma_semaphore, #tpu.memory_space<semaphore_mem>>) src(%dma_wait3A_606 : memref<1000000x128xf32, #tpu.memory_space<hbm>>) dst(%dma_wait3A_600 : memref<128x128xf32, #tpu.memory_space<vmem>>)
    %dma_start3A_607 = arith.constant 0 : i32
    %dma_start3A_608 = tpu.memref_slice %arg8[%add3A_48, %dma_start3A_607] : memref<65536x128xf32, #tpu.memory_space<hbm>> -> memref<256x128xf32, #tpu.memory_space<hbm>>
    %dma_start3A_609 = arith.constant 0 : i32
    %dma_start3A_610 = tpu.memref_slice %arg8[%add3A_48, %dma_start3A_609] : memref<65536x128xf32, #tpu.memory_space<hbm>> -> memref<256x128xf32, #tpu.memory_space<hbm>>
    tpu.enqueue_dma source(%arg14 : memref<256x128xf32, #tpu.memory_space<vmem>>) target(%dma_start3A_610 : memref<256x128xf32, #tpu.memory_space<hbm>>) target_semaphore(%arg19 : memref<!tpu.dma_semaphore, #tpu.memory_space<semaphore_mem>>)
    %dma_wait3A_611 = arith.constant 0 : i32
    %dma_wait3A_612 = tpu.memref_slice %arg8[%add3A_44, %dma_wait3A_611] : memref<65536x128xf32, #tpu.memory_space<hbm>> -> memref<256x128xf32, #tpu.memory_space<hbm>>
    %dma_wait3A_613 = arith.constant 0 : i32
    %dma_wait3A_614 = tpu.memref_slice %arg8[%add3A_44, %dma_wait3A_613] : memref<65536x128xf32, #tpu.memory_space<hbm>> -> memref<256x128xf32, #tpu.memory_space<hbm>>
    tpu.wait_dma2 semaphore(%arg18 : memref<!tpu.dma_semaphore, #tpu.memory_space<semaphore_mem>>) src(%arg13 : memref<256x128xf32, #tpu.memory_space<vmem>>) dst(%dma_wait3A_614 : memref<256x128xf32, #tpu.memory_space<hbm>>)
    %dma_wait3A_615 = arith.constant 0 : i32
    %dma_wait3A_616 = tpu.memref_slice %arg8[%add3A_48, %dma_wait3A_615] : memref<65536x128xf32, #tpu.memory_space<hbm>> -> memref<256x128xf32, #tpu.memory_space<hbm>>
    %dma_wait3A_617 = arith.constant 0 : i32
    %dma_wait3A_618 = tpu.memref_slice %arg8[%add3A_48, %dma_wait3A_617] : memref<65536x128xf32, #tpu.memory_space<hbm>> -> memref<256x128xf32, #tpu.memory_space<hbm>>
    tpu.wait_dma2 semaphore(%arg19 : memref<!tpu.dma_semaphore, #tpu.memory_space<semaphore_mem>>) src(%arg14 : memref<256x128xf32, #tpu.memory_space<vmem>>) dst(%dma_wait3A_618 : memref<256x128xf32, #tpu.memory_space<hbm>>)
    return
  }
}

module attributes {stable_mosaic.version = 14 : i64} {
  func.func @_fuse_body(%arg0: i32, %arg1: memref<32x24576xf32, #tpu.memory_space<vmem>>, %arg2: memref<32x24576xf32, #tpu.memory_space<vmem>>, %arg3: memref<32x24576xf32, #tpu.memory_space<vmem>>, %arg4: memref<32x24576xf32, #tpu.memory_space<vmem>>, %arg5: memref<24576x128xf32, #tpu.memory_space<vmem>>) attributes {dimension_semantics = [#tpu.dimension_semantics<arbitrary>], iteration_bounds = array<i64: 41>, scalar_prefetch = 0 : i64, scratch_operands = 0 : i64, tpu.core_type = #tpu.core_type<tc>, window_params = [{transform_indices = @transform_0, window_bounds = array<i64: 32, 24576>}, {transform_indices = @transform_1, window_bounds = array<i64: 32, 24576>}, {transform_indices = @transform_2, window_bounds = array<i64: 32, 24576>}, {transform_indices = @transform_3, window_bounds = array<i64: 32, 24576>}, {transform_indices = @transform_4, window_bounds = array<i64: 24576, 128>}]} {
    %get3A = arith.constant 0 : index
    %get3A_0 = arith.constant 0 : index
    %get3A_1 = vector.load %arg1[%get3A, %get3A_0] : memref<32x24576xf32, #tpu.memory_space<vmem>>, vector<32x24576xf32>
    %get3A_2 = arith.constant 0 : index
    %get3A_3 = arith.constant 0 : index
    %get3A_4 = vector.load %arg2[%get3A_2, %get3A_3] : memref<32x24576xf32, #tpu.memory_space<vmem>>, vector<32x24576xf32>
    %get3A_5 = arith.constant 0 : index
    %get3A_6 = arith.constant 0 : index
    %get3A_7 = vector.load %arg3[%get3A_5, %get3A_6] : memref<32x24576xf32, #tpu.memory_space<vmem>>, vector<32x24576xf32>
    %get3A_8 = arith.constant 0 : index
    %get3A_9 = arith.constant 0 : index
    %get3A_10 = vector.load %arg4[%get3A_8, %get3A_9] : memref<32x24576xf32, #tpu.memory_space<vmem>>, vector<32x24576xf32>
    %concatenate3A = tpu.concatenate %get3A_1, %get3A_4, %get3A_7, %get3A_10 in 0 : vector<32x24576xf32>, vector<32x24576xf32>, vector<32x24576xf32>, vector<32x24576xf32> -> vector<128x24576xf32>
    %transpose3A = tpu.transpose %concatenate3A, [1, 0] : vector<128x24576xf32> -> vector<24576x128xf32>
    %swap3A = arith.constant 0 : index
    %swap3A_11 = arith.constant 0 : index
    %swap3A_12 = vector.load %arg5[%swap3A, %swap3A_11] : memref<24576x128xf32, #tpu.memory_space<vmem>>, vector<24576x128xf32>
    tpu.vector_store %arg5[%swap3A, %swap3A_11], %transpose3A {strides = array<i32>} : memref<24576x128xf32, #tpu.memory_space<vmem>>, vector<24576x128xf32>,
    return
  }
  func.func @transform_0(%arg0: i32) -> (i32, i32) {
    %c0_i32 = arith.constant 0 : i32
    %c0_i32_0 = arith.constant 0 : i32
    return %c0_i32, %arg0 : i32, i32
  }
  func.func @transform_1(%arg0: i32) -> (i32, i32) {
    %c0_i32 = arith.constant 0 : i32
    %c0_i32_0 = arith.constant 0 : i32
    return %c0_i32, %arg0 : i32, i32
  }
  func.func @transform_2(%arg0: i32) -> (i32, i32) {
    %c0_i32 = arith.constant 0 : i32
    %c0_i32_0 = arith.constant 0 : i32
    return %c0_i32, %arg0 : i32, i32
  }
  func.func @transform_3(%arg0: i32) -> (i32, i32) {
    %c0_i32 = arith.constant 0 : i32
    %c0_i32_0 = arith.constant 0 : i32
    return %c0_i32, %arg0 : i32, i32
  }
  func.func @transform_4(%arg0: i32) -> (i32, i32) {
    %c0_i32 = arith.constant 0 : i32
    %c0_i32_0 = arith.constant 0 : i32
    return %arg0, %c0_i32 : i32, i32
  }
}

module attributes {stable_mosaic.version = 14 : i64} {
  func.func @_tc_body(%arg0: i32, %arg1: memref<4096x128xf32, #tpu.memory_space<vmem>>, %arg2: memref<4096x128xf32, #tpu.memory_space<vmem>>, %arg3: memref<4x4096x128xf32, #tpu.memory_space<vmem>>, %arg4: memref<128x32xf32, #tpu.memory_space<vmem>>, %arg5: memref<128x32xf32, #tpu.memory_space<vmem>>, %arg6: memref<32x128xf32, #tpu.memory_space<vmem>>, %arg7: memref<1x128xf32, #tpu.memory_space<vmem>>, %arg8: memref<5x128x8xf32, #tpu.memory_space<vmem>>, %arg9: memref<5x128x8xf32, #tpu.memory_space<vmem>>, %arg10: memref<1x32xf32, #tpu.memory_space<vmem>>, %arg11: memref<1x128xf32, #tpu.memory_space<vmem>>, %arg12: memref<1x1xf32, #tpu.memory_space<vmem>>, %arg13: memref<4096x8xf32, #tpu.memory_space<vmem>>) attributes {dimension_semantics = [#tpu.dimension_semantics<arbitrary>], iteration_bounds = array<i64: 4>, scalar_prefetch = 0 : i64, scratch_operands = 0 : i64, tpu.core_type = #tpu.core_type<tc>, window_params = [{transform_indices = @transform_0, window_bounds = array<i64: 4096, 128>}, {transform_indices = @transform_1, window_bounds = array<i64: 4096, 128>}, {transform_indices = @transform_2, window_bounds = array<i64: 4, 4096, 128>}, {pipeline_mode = #tpu.pipeline_mode<synchronous>, transform_indices = @transform_3, window_bounds = array<i64: 128, 32>}, {pipeline_mode = #tpu.pipeline_mode<synchronous>, transform_indices = @transform_4, window_bounds = array<i64: 128, 32>}, {pipeline_mode = #tpu.pipeline_mode<synchronous>, transform_indices = @transform_5, window_bounds = array<i64: 32, 128>}, {pipeline_mode = #tpu.pipeline_mode<synchronous>, transform_indices = @transform_6, window_bounds = array<i64: 1, 128>}, {pipeline_mode = #tpu.pipeline_mode<synchronous>, transform_indices = @transform_7, window_bounds = array<i64: 5, 128, 8>}, {pipeline_mode = #tpu.pipeline_mode<synchronous>, transform_indices = @transform_8, window_bounds = array<i64: 5, 128, 8>}, {pipeline_mode = #tpu.pipeline_mode<synchronous>, transform_indices = @transform_9, window_bounds = array<i64: 1, 32>}, {pipeline_mode = #tpu.pipeline_mode<synchronous>, transform_indices = @transform_10, window_bounds = array<i64: 1, 128>}, {pipeline_mode = #tpu.pipeline_mode<synchronous>, transform_indices = @transform_11, window_bounds = array<i64: 1, 1>}, {transform_indices = @transform_12, window_bounds = array<i64: 4096, 8>}]} {
    %get3A = arith.constant 0 : index
    %get3A_0 = arith.constant 0 : index
    %get3A_1 = vector.load %arg5[%get3A, %get3A_0] : memref<128x32xf32, #tpu.memory_space<vmem>>, vector<128x32xf32>
    %get3A_2 = arith.constant 0 : index
    %get3A_3 = arith.constant 0 : index
    %get3A_4 = vector.load %arg6[%get3A_2, %get3A_3] : memref<32x128xf32, #tpu.memory_space<vmem>>, vector<32x128xf32>
    %get3A_5 = arith.constant 0 : index
    %get3A_6 = arith.constant 0 : index
    %get3A_7 = vector.load %arg7[%get3A_5, %get3A_6] : memref<1x128xf32, #tpu.memory_space<vmem>>, vector<1x128xf32>
    %get3A_8 = arith.constant 0 : index
    %get3A_9 = arith.constant 0 : index
    %get3A_10 = vector.load %arg10[%get3A_8, %get3A_9] : memref<1x32xf32, #tpu.memory_space<vmem>>, vector<1x32xf32>
    %get3A_11 = arith.constant 0 : index
    %get3A_12 = arith.constant 0 : index
    %get3A_13 = vector.load %arg11[%get3A_11, %get3A_12] : memref<1x128xf32, #tpu.memory_space<vmem>>, vector<1x128xf32>
    %get3A_14 = arith.constant 0 : index
    %get3A_15 = arith.constant 0 : index
    %get3A_16 = vector.load %arg1[%get3A_14, %get3A_15] : memref<4096x128xf32, #tpu.memory_space<vmem>>, vector<4096x128xf32>
    %get3A_17 = arith.constant 0 : index
    %get3A_18 = arith.constant 0 : index
    %get3A_19 = vector.load %arg4[%get3A_17, %get3A_18] : memref<128x32xf32, #tpu.memory_space<vmem>>, vector<128x32xf32>
    %dot_general3A = arith.constant dense<0.000000e+00> : vector<4096x32xf32>
    %dot_general3A_20 = tpu.matmul %get3A_16, %get3A_19, %dot_general3A {dimension_numbers = #tpu.dot_dimension_numbers<[1], [0], [0], [1], [0, 0, 1, 1], [], []>, transpose_lhs_hint = false} : vector<4096x128xf32>, vector<128x32xf32>, vector<4096x32xf32> -> vector<4096x32xf32>
    %broadcast_in_dim3A = arith.constant 0.000000e+00 : f32
    %broadcast_in_dim3A_21 = vector.broadcast %broadcast_in_dim3A : f32 to vector<4096x8xf32>
    %get3A_22 = arith.constant 0 : index
    %get3A_23 = arith.constant 0 : index
    %get3A_24 = vector.load %arg12[%get3A_22, %get3A_23] : memref<1x1xf32, #tpu.memory_space<vmem>>, vector<1x1xf32>
    %get3A_25 = vector.extract %get3A_24[0, 0] : f32 from vector<1x1xf32>
    %add3A = vector.broadcast %get3A_25 : f32 to vector<4096x8xf32>
    %add3A_26 = arith.addf %broadcast_in_dim3A_21, %add3A : vector<4096x8xf32>
    %get3A_27 = arith.constant 0 : index
    %get3A_28 = arith.constant 0 : index
    %get3A_29 = vector.load %arg2[%get3A_27, %get3A_28] : memref<4096x128xf32, #tpu.memory_space<vmem>>, vector<4096x128xf32>
    %get3A_30 = arith.constant 0 : index
    %get3A_31 = arith.constant 0 : index
    %get3A_32 = arith.constant 0 : index
    %get3A_33 = vector.load %arg3[%get3A_30, %get3A_31, %get3A_32] : memref<4x4096x128xf32, #tpu.memory_space<vmem>>, vector<1x4096x128xf32>
    %get3A_34 = vector.shape_cast %get3A_33 : vector<1x4096x128xf32> to vector<4096x128xf32>
    %get3A_35 = arith.constant 1 : index
    %get3A_36 = arith.constant 0 : index
    %get3A_37 = arith.constant 0 : index
    %get3A_38 = vector.load %arg3[%get3A_35, %get3A_36, %get3A_37] : memref<4x4096x128xf32, #tpu.memory_space<vmem>>, vector<1x4096x128xf32>
    %get3A_39 = vector.shape_cast %get3A_38 : vector<1x4096x128xf32> to vector<4096x128xf32>
    %get3A_40 = arith.constant 2 : index
    %get3A_41 = arith.constant 0 : index
    %get3A_42 = arith.constant 0 : index
    %get3A_43 = vector.load %arg3[%get3A_40, %get3A_41, %get3A_42] : memref<4x4096x128xf32, #tpu.memory_space<vmem>>, vector<1x4096x128xf32>
    %get3A_44 = vector.shape_cast %get3A_43 : vector<1x4096x128xf32> to vector<4096x128xf32>
    %get3A_45 = arith.constant 3 : index
    %get3A_46 = arith.constant 0 : index
    %get3A_47 = arith.constant 0 : index
    %get3A_48 = vector.load %arg3[%get3A_45, %get3A_46, %get3A_47] : memref<4x4096x128xf32, #tpu.memory_space<vmem>>, vector<1x4096x128xf32>
    %get3A_49 = vector.shape_cast %get3A_48 : vector<1x4096x128xf32> to vector<4096x128xf32>
    %dot_general3A_50 = arith.constant dense<0.000000e+00> : vector<4096x32xf32>
    %dot_general3A_51 = tpu.matmul %get3A_29, %get3A_1, %dot_general3A_50 {dimension_numbers = #tpu.dot_dimension_numbers<[1], [0], [0], [1], [0, 0, 1, 1], [], []>, transpose_lhs_hint = false} : vector<4096x128xf32>, vector<128x32xf32>, vector<4096x32xf32> -> vector<4096x32xf32>
    %add3A_52 = arith.addf %dot_general3A_20, %dot_general3A_51 : vector<4096x32xf32>
    %add3A_53 = vector.broadcast %get3A_10 : vector<1x32xf32> to vector<4096x32xf32>
    %add3A_54 = arith.addf %add3A_52, %add3A_53 : vector<4096x32xf32>
    %max3A = arith.constant 0.000000e+00 : f32
    %max3A_55 = vector.broadcast %max3A : f32 to vector<4096x32xf32>
    %max3A_56 = arith.maximumf %add3A_54, %max3A_55 : vector<4096x32xf32>
    %dot_general3A_57 = arith.constant dense<0.000000e+00> : vector<4096x128xf32>
    %dot_general3A_58 = tpu.matmul %max3A_56, %get3A_4, %dot_general3A_57 {dimension_numbers = #tpu.dot_dimension_numbers<[1], [0], [0], [1], [0, 0, 1, 1], [], []>, transpose_lhs_hint = false} : vector<4096x32xf32>, vector<32x128xf32>, vector<4096x128xf32> -> vector<4096x128xf32>
    %add3A_59 = vector.broadcast %get3A_13 : vector<1x128xf32> to vector<4096x128xf32>
    %add3A_60 = arith.addf %dot_general3A_58, %add3A_59 : vector<4096x128xf32>
    %max3A_61 = arith.constant 0.000000e+00 : f32
    %max3A_62 = vector.broadcast %max3A_61 : f32 to vector<4096x128xf32>
    %max3A_63 = arith.maximumf %add3A_60, %max3A_62 : vector<4096x128xf32>
    %slice3A = vector.extract_strided_slice %get3A_29 {offsets = [0, 32], sizes = [4096, 96], strides = [1, 1]} : vector<4096x128xf32> to vector<4096x96xf32>
    %slice3A_64 = vector.extract_strided_slice %get3A_29 {offsets = [0, 0], sizes = [4096, 32], strides = [1, 1]} : vector<4096x128xf32> to vector<4096x32xf32>
    %concatenate3A = tpu.concatenate %slice3A, %slice3A_64 in 1 : vector<4096x96xf32>, vector<4096x32xf32> -> vector<4096x128xf32>
    %mul3A = arith.mulf %get3A_16, %concatenate3A : vector<4096x128xf32>
    %mul3A_65 = vector.broadcast %get3A_7 : vector<1x128xf32> to vector<4096x128xf32>
    %mul3A_66 = arith.mulf %mul3A, %mul3A_65 : vector<4096x128xf32>
    %get3A_67 = arith.constant 0 : index
    %get3A_68 = arith.constant 0 : index
    %get3A_69 = arith.constant 0 : index
    %get3A_70 = vector.load %arg8[%get3A_67, %get3A_68, %get3A_69] : memref<5x128x8xf32, #tpu.memory_space<vmem>>, vector<1x128x8xf32>
    %get3A_71 = vector.shape_cast %get3A_70 : vector<1x128x8xf32> to vector<128x8xf32>
    %dot_general3A_72 = arith.constant dense<0.000000e+00> : vector<4096x8xf32>
    %dot_general3A_73 = tpu.matmul %mul3A_66, %get3A_71, %dot_general3A_72 {dimension_numbers = #tpu.dot_dimension_numbers<[1], [0], [0], [1], [0, 0, 1, 1], [], []>, transpose_lhs_hint = false} : vector<4096x128xf32>, vector<128x8xf32>, vector<4096x8xf32> -> vector<4096x8xf32>
    %add3A_74 = arith.addf %add3A_26, %dot_general3A_73 : vector<4096x8xf32>
    %get3A_75 = arith.constant 0 : index
    %get3A_76 = arith.constant 0 : index
    %get3A_77 = arith.constant 0 : index
    %get3A_78 = vector.load %arg9[%get3A_75, %get3A_76, %get3A_77] : memref<5x128x8xf32, #tpu.memory_space<vmem>>, vector<1x128x8xf32>
    %get3A_79 = vector.shape_cast %get3A_78 : vector<1x128x8xf32> to vector<128x8xf32>
    %dot_general3A_80 = arith.constant dense<0.000000e+00> : vector<4096x8xf32>
    %dot_general3A_81 = tpu.matmul %max3A_63, %get3A_79, %dot_general3A_80 {dimension_numbers = #tpu.dot_dimension_numbers<[1], [0], [0], [1], [0, 0, 1, 1], [], []>, transpose_lhs_hint = false} : vector<4096x128xf32>, vector<128x8xf32>, vector<4096x8xf32> -> vector<4096x8xf32>
    %add3A_82 = arith.addf %add3A_74, %dot_general3A_81 : vector<4096x8xf32>
    %dot_general3A_83 = arith.constant dense<0.000000e+00> : vector<4096x32xf32>
    %dot_general3A_84 = tpu.matmul %get3A_34, %get3A_1, %dot_general3A_83 {dimension_numbers = #tpu.dot_dimension_numbers<[1], [0], [0], [1], [0, 0, 1, 1], [], []>, transpose_lhs_hint = false} : vector<4096x128xf32>, vector<128x32xf32>, vector<4096x32xf32> -> vector<4096x32xf32>
    %add3A_85 = arith.addf %dot_general3A_20, %dot_general3A_84 : vector<4096x32xf32>
    %add3A_86 = vector.broadcast %get3A_10 : vector<1x32xf32> to vector<4096x32xf32>
    %add3A_87 = arith.addf %add3A_85, %add3A_86 : vector<4096x32xf32>
    %max3A_88 = arith.constant 0.000000e+00 : f32
    %max3A_89 = vector.broadcast %max3A_88 : f32 to vector<4096x32xf32>
    %max3A_90 = arith.maximumf %add3A_87, %max3A_89 : vector<4096x32xf32>
    %dot_general3A_91 = arith.constant dense<0.000000e+00> : vector<4096x128xf32>
    %dot_general3A_92 = tpu.matmul %max3A_90, %get3A_4, %dot_general3A_91 {dimension_numbers = #tpu.dot_dimension_numbers<[1], [0], [0], [1], [0, 0, 1, 1], [], []>, transpose_lhs_hint = false} : vector<4096x32xf32>, vector<32x128xf32>, vector<4096x128xf32> -> vector<4096x128xf32>
    %add3A_93 = vector.broadcast %get3A_13 : vector<1x128xf32> to vector<4096x128xf32>
    %add3A_94 = arith.addf %dot_general3A_92, %add3A_93 : vector<4096x128xf32>
    %max3A_95 = arith.constant 0.000000e+00 : f32
    %max3A_96 = vector.broadcast %max3A_95 : f32 to vector<4096x128xf32>
    %max3A_97 = arith.maximumf %add3A_94, %max3A_96 : vector<4096x128xf32>
    %slice3A_98 = vector.extract_strided_slice %get3A_34 {offsets = [0, 32], sizes = [4096, 96], strides = [1, 1]} : vector<4096x128xf32> to vector<4096x96xf32>
    %slice3A_99 = vector.extract_strided_slice %get3A_34 {offsets = [0, 0], sizes = [4096, 32], strides = [1, 1]} : vector<4096x128xf32> to vector<4096x32xf32>
    %concatenate3A_100 = tpu.concatenate %slice3A_98, %slice3A_99 in 1 : vector<4096x96xf32>, vector<4096x32xf32> -> vector<4096x128xf32>
    %mul3A_101 = arith.mulf %get3A_16, %concatenate3A_100 : vector<4096x128xf32>
    %mul3A_102 = vector.broadcast %get3A_7 : vector<1x128xf32> to vector<4096x128xf32>
    %mul3A_103 = arith.mulf %mul3A_101, %mul3A_102 : vector<4096x128xf32>
    %get3A_104 = arith.constant 1 : index
    %get3A_105 = arith.constant 0 : index
    %get3A_106 = arith.constant 0 : index
    %get3A_107 = vector.load %arg8[%get3A_104, %get3A_105, %get3A_106] : memref<5x128x8xf32, #tpu.memory_space<vmem>>, vector<1x128x8xf32>
    %get3A_108 = vector.shape_cast %get3A_107 : vector<1x128x8xf32> to vector<128x8xf32>
    %dot_general3A_109 = arith.constant dense<0.000000e+00> : vector<4096x8xf32>
    %dot_general3A_110 = tpu.matmul %mul3A_103, %get3A_108, %dot_general3A_109 {dimension_numbers = #tpu.dot_dimension_numbers<[1], [0], [0], [1], [0, 0, 1, 1], [], []>, transpose_lhs_hint = false} : vector<4096x128xf32>, vector<128x8xf32>, vector<4096x8xf32> -> vector<4096x8xf32>
    %add3A_111 = arith.addf %add3A_82, %dot_general3A_110 : vector<4096x8xf32>
    %get3A_112 = arith.constant 1 : index
    %get3A_113 = arith.constant 0 : index
    %get3A_114 = arith.constant 0 : index
    %get3A_115 = vector.load %arg9[%get3A_112, %get3A_113, %get3A_114] : memref<5x128x8xf32, #tpu.memory_space<vmem>>, vector<1x128x8xf32>
    %get3A_116 = vector.shape_cast %get3A_115 : vector<1x128x8xf32> to vector<128x8xf32>
    %dot_general3A_117 = arith.constant dense<0.000000e+00> : vector<4096x8xf32>
    %dot_general3A_118 = tpu.matmul %max3A_97, %get3A_116, %dot_general3A_117 {dimension_numbers = #tpu.dot_dimension_numbers<[1], [0], [0], [1], [0, 0, 1, 1], [], []>, transpose_lhs_hint = false} : vector<4096x128xf32>, vector<128x8xf32>, vector<4096x8xf32> -> vector<4096x8xf32>
    %add3A_119 = arith.addf %add3A_111, %dot_general3A_118 : vector<4096x8xf32>
    %dot_general3A_120 = arith.constant dense<0.000000e+00> : vector<4096x32xf32>
    %dot_general3A_121 = tpu.matmul %get3A_39, %get3A_1, %dot_general3A_120 {dimension_numbers = #tpu.dot_dimension_numbers<[1], [0], [0], [1], [0, 0, 1, 1], [], []>, transpose_lhs_hint = false} : vector<4096x128xf32>, vector<128x32xf32>, vector<4096x32xf32> -> vector<4096x32xf32>
    %add3A_122 = arith.addf %dot_general3A_20, %dot_general3A_121 : vector<4096x32xf32>
    %add3A_123 = vector.broadcast %get3A_10 : vector<1x32xf32> to vector<4096x32xf32>
    %add3A_124 = arith.addf %add3A_122, %add3A_123 : vector<4096x32xf32>
    %max3A_125 = arith.constant 0.000000e+00 : f32
    %max3A_126 = vector.broadcast %max3A_125 : f32 to vector<4096x32xf32>
    %max3A_127 = arith.maximumf %add3A_124, %max3A_126 : vector<4096x32xf32>
    %dot_general3A_128 = arith.constant dense<0.000000e+00> : vector<4096x128xf32>
    %dot_general3A_129 = tpu.matmul %max3A_127, %get3A_4, %dot_general3A_128 {dimension_numbers = #tpu.dot_dimension_numbers<[1], [0], [0], [1], [0, 0, 1, 1], [], []>, transpose_lhs_hint = false} : vector<4096x32xf32>, vector<32x128xf32>, vector<4096x128xf32> -> vector<4096x128xf32>
    %add3A_130 = vector.broadcast %get3A_13 : vector<1x128xf32> to vector<4096x128xf32>
    %add3A_131 = arith.addf %dot_general3A_129, %add3A_130 : vector<4096x128xf32>
    %max3A_132 = arith.constant 0.000000e+00 : f32
    %max3A_133 = vector.broadcast %max3A_132 : f32 to vector<4096x128xf32>
    %max3A_134 = arith.maximumf %add3A_131, %max3A_133 : vector<4096x128xf32>
    %slice3A_135 = vector.extract_strided_slice %get3A_39 {offsets = [0, 32], sizes = [4096, 96], strides = [1, 1]} : vector<4096x128xf32> to vector<4096x96xf32>
    %slice3A_136 = vector.extract_strided_slice %get3A_39 {offsets = [0, 0], sizes = [4096, 32], strides = [1, 1]} : vector<4096x128xf32> to vector<4096x32xf32>
    %concatenate3A_137 = tpu.concatenate %slice3A_135, %slice3A_136 in 1 : vector<4096x96xf32>, vector<4096x32xf32> -> vector<4096x128xf32>
    %mul3A_138 = arith.mulf %get3A_16, %concatenate3A_137 : vector<4096x128xf32>
    %mul3A_139 = vector.broadcast %get3A_7 : vector<1x128xf32> to vector<4096x128xf32>
    %mul3A_140 = arith.mulf %mul3A_138, %mul3A_139 : vector<4096x128xf32>
    %get3A_141 = arith.constant 2 : index
    %get3A_142 = arith.constant 0 : index
    %get3A_143 = arith.constant 0 : index
    %get3A_144 = vector.load %arg8[%get3A_141, %get3A_142, %get3A_143] : memref<5x128x8xf32, #tpu.memory_space<vmem>>, vector<1x128x8xf32>
    %get3A_145 = vector.shape_cast %get3A_144 : vector<1x128x8xf32> to vector<128x8xf32>
    %dot_general3A_146 = arith.constant dense<0.000000e+00> : vector<4096x8xf32>
    %dot_general3A_147 = tpu.matmul %mul3A_140, %get3A_145, %dot_general3A_146 {dimension_numbers = #tpu.dot_dimension_numbers<[1], [0], [0], [1], [0, 0, 1, 1], [], []>, transpose_lhs_hint = false} : vector<4096x128xf32>, vector<128x8xf32>, vector<4096x8xf32> -> vector<4096x8xf32>
    %add3A_148 = arith.addf %add3A_119, %dot_general3A_147 : vector<4096x8xf32>
    %get3A_149 = arith.constant 2 : index
    %get3A_150 = arith.constant 0 : index
    %get3A_151 = arith.constant 0 : index
    %get3A_152 = vector.load %arg9[%get3A_149, %get3A_150, %get3A_151] : memref<5x128x8xf32, #tpu.memory_space<vmem>>, vector<1x128x8xf32>
    %get3A_153 = vector.shape_cast %get3A_152 : vector<1x128x8xf32> to vector<128x8xf32>
    %dot_general3A_154 = arith.constant dense<0.000000e+00> : vector<4096x8xf32>
    %dot_general3A_155 = tpu.matmul %max3A_134, %get3A_153, %dot_general3A_154 {dimension_numbers = #tpu.dot_dimension_numbers<[1], [0], [0], [1], [0, 0, 1, 1], [], []>, transpose_lhs_hint = false} : vector<4096x128xf32>, vector<128x8xf32>, vector<4096x8xf32> -> vector<4096x8xf32>
    %add3A_156 = arith.addf %add3A_148, %dot_general3A_155 : vector<4096x8xf32>
    %dot_general3A_157 = arith.constant dense<0.000000e+00> : vector<4096x32xf32>
    %dot_general3A_158 = tpu.matmul %get3A_44, %get3A_1, %dot_general3A_157 {dimension_numbers = #tpu.dot_dimension_numbers<[1], [0], [0], [1], [0, 0, 1, 1], [], []>, transpose_lhs_hint = false} : vector<4096x128xf32>, vector<128x32xf32>, vector<4096x32xf32> -> vector<4096x32xf32>
    %add3A_159 = arith.addf %dot_general3A_20, %dot_general3A_158 : vector<4096x32xf32>
    %add3A_160 = vector.broadcast %get3A_10 : vector<1x32xf32> to vector<4096x32xf32>
    %add3A_161 = arith.addf %add3A_159, %add3A_160 : vector<4096x32xf32>
    %max3A_162 = arith.constant 0.000000e+00 : f32
    %max3A_163 = vector.broadcast %max3A_162 : f32 to vector<4096x32xf32>
    %max3A_164 = arith.maximumf %add3A_161, %max3A_163 : vector<4096x32xf32>
    %dot_general3A_165 = arith.constant dense<0.000000e+00> : vector<4096x128xf32>
    %dot_general3A_166 = tpu.matmul %max3A_164, %get3A_4, %dot_general3A_165 {dimension_numbers = #tpu.dot_dimension_numbers<[1], [0], [0], [1], [0, 0, 1, 1], [], []>, transpose_lhs_hint = false} : vector<4096x32xf32>, vector<32x128xf32>, vector<4096x128xf32> -> vector<4096x128xf32>
    %add3A_167 = vector.broadcast %get3A_13 : vector<1x128xf32> to vector<4096x128xf32>
    %add3A_168 = arith.addf %dot_general3A_166, %add3A_167 : vector<4096x128xf32>
    %max3A_169 = arith.constant 0.000000e+00 : f32
    %max3A_170 = vector.broadcast %max3A_169 : f32 to vector<4096x128xf32>
    %max3A_171 = arith.maximumf %add3A_168, %max3A_170 : vector<4096x128xf32>
    %slice3A_172 = vector.extract_strided_slice %get3A_44 {offsets = [0, 32], sizes = [4096, 96], strides = [1, 1]} : vector<4096x128xf32> to vector<4096x96xf32>
    %slice3A_173 = vector.extract_strided_slice %get3A_44 {offsets = [0, 0], sizes = [4096, 32], strides = [1, 1]} : vector<4096x128xf32> to vector<4096x32xf32>
    %concatenate3A_174 = tpu.concatenate %slice3A_172, %slice3A_173 in 1 : vector<4096x96xf32>, vector<4096x32xf32> -> vector<4096x128xf32>
    %mul3A_175 = arith.mulf %get3A_16, %concatenate3A_174 : vector<4096x128xf32>
    %mul3A_176 = vector.broadcast %get3A_7 : vector<1x128xf32> to vector<4096x128xf32>
    %mul3A_177 = arith.mulf %mul3A_175, %mul3A_176 : vector<4096x128xf32>
    %get3A_178 = arith.constant 3 : index
    %get3A_179 = arith.constant 0 : index
    %get3A_180 = arith.constant 0 : index
    %get3A_181 = vector.load %arg8[%get3A_178, %get3A_179, %get3A_180] : memref<5x128x8xf32, #tpu.memory_space<vmem>>, vector<1x128x8xf32>
    %get3A_182 = vector.shape_cast %get3A_181 : vector<1x128x8xf32> to vector<128x8xf32>
    %dot_general3A_183 = arith.constant dense<0.000000e+00> : vector<4096x8xf32>
    %dot_general3A_184 = tpu.matmul %mul3A_177, %get3A_182, %dot_general3A_183 {dimension_numbers = #tpu.dot_dimension_numbers<[1], [0], [0], [1], [0, 0, 1, 1], [], []>, transpose_lhs_hint = false} : vector<4096x128xf32>, vector<128x8xf32>, vector<4096x8xf32> -> vector<4096x8xf32>
    %add3A_185 = arith.addf %add3A_156, %dot_general3A_184 : vector<4096x8xf32>
    %get3A_186 = arith.constant 3 : index
    %get3A_187 = arith.constant 0 : index
    %get3A_188 = arith.constant 0 : index
    %get3A_189 = vector.load %arg9[%get3A_186, %get3A_187, %get3A_188] : memref<5x128x8xf32, #tpu.memory_space<vmem>>, vector<1x128x8xf32>
    %get3A_190 = vector.shape_cast %get3A_189 : vector<1x128x8xf32> to vector<128x8xf32>
    %dot_general3A_191 = arith.constant dense<0.000000e+00> : vector<4096x8xf32>
    %dot_general3A_192 = tpu.matmul %max3A_171, %get3A_190, %dot_general3A_191 {dimension_numbers = #tpu.dot_dimension_numbers<[1], [0], [0], [1], [0, 0, 1, 1], [], []>, transpose_lhs_hint = false} : vector<4096x128xf32>, vector<128x8xf32>, vector<4096x8xf32> -> vector<4096x8xf32>
    %add3A_193 = arith.addf %add3A_185, %dot_general3A_192 : vector<4096x8xf32>
    %dot_general3A_194 = arith.constant dense<0.000000e+00> : vector<4096x32xf32>
    %dot_general3A_195 = tpu.matmul %get3A_49, %get3A_1, %dot_general3A_194 {dimension_numbers = #tpu.dot_dimension_numbers<[1], [0], [0], [1], [0, 0, 1, 1], [], []>, transpose_lhs_hint = false} : vector<4096x128xf32>, vector<128x32xf32>, vector<4096x32xf32> -> vector<4096x32xf32>
    %add3A_196 = arith.addf %dot_general3A_20, %dot_general3A_195 : vector<4096x32xf32>
    %add3A_197 = vector.broadcast %get3A_10 : vector<1x32xf32> to vector<4096x32xf32>
    %add3A_198 = arith.addf %add3A_196, %add3A_197 : vector<4096x32xf32>
    %max3A_199 = arith.constant 0.000000e+00 : f32
    %max3A_200 = vector.broadcast %max3A_199 : f32 to vector<4096x32xf32>
    %max3A_201 = arith.maximumf %add3A_198, %max3A_200 : vector<4096x32xf32>
    %dot_general3A_202 = arith.constant dense<0.000000e+00> : vector<4096x128xf32>
    %dot_general3A_203 = tpu.matmul %max3A_201, %get3A_4, %dot_general3A_202 {dimension_numbers = #tpu.dot_dimension_numbers<[1], [0], [0], [1], [0, 0, 1, 1], [], []>, transpose_lhs_hint = false} : vector<4096x32xf32>, vector<32x128xf32>, vector<4096x128xf32> -> vector<4096x128xf32>
    %add3A_204 = vector.broadcast %get3A_13 : vector<1x128xf32> to vector<4096x128xf32>
    %add3A_205 = arith.addf %dot_general3A_203, %add3A_204 : vector<4096x128xf32>
    %max3A_206 = arith.constant 0.000000e+00 : f32
    %max3A_207 = vector.broadcast %max3A_206 : f32 to vector<4096x128xf32>
    %max3A_208 = arith.maximumf %add3A_205, %max3A_207 : vector<4096x128xf32>
    %slice3A_209 = vector.extract_strided_slice %get3A_49 {offsets = [0, 32], sizes = [4096, 96], strides = [1, 1]} : vector<4096x128xf32> to vector<4096x96xf32>
    %slice3A_210 = vector.extract_strided_slice %get3A_49 {offsets = [0, 0], sizes = [4096, 32], strides = [1, 1]} : vector<4096x128xf32> to vector<4096x32xf32>
    %concatenate3A_211 = tpu.concatenate %slice3A_209, %slice3A_210 in 1 : vector<4096x96xf32>, vector<4096x32xf32> -> vector<4096x128xf32>
    %mul3A_212 = arith.mulf %get3A_16, %concatenate3A_211 : vector<4096x128xf32>
    %mul3A_213 = vector.broadcast %get3A_7 : vector<1x128xf32> to vector<4096x128xf32>
    %mul3A_214 = arith.mulf %mul3A_212, %mul3A_213 : vector<4096x128xf32>
    %get3A_215 = arith.constant 4 : index
    %get3A_216 = arith.constant 0 : index
    %get3A_217 = arith.constant 0 : index
    %get3A_218 = vector.load %arg8[%get3A_215, %get3A_216, %get3A_217] : memref<5x128x8xf32, #tpu.memory_space<vmem>>, vector<1x128x8xf32>
    %get3A_219 = vector.shape_cast %get3A_218 : vector<1x128x8xf32> to vector<128x8xf32>
    %dot_general3A_220 = arith.constant dense<0.000000e+00> : vector<4096x8xf32>
    %dot_general3A_221 = tpu.matmul %mul3A_214, %get3A_219, %dot_general3A_220 {dimension_numbers = #tpu.dot_dimension_numbers<[1], [0], [0], [1], [0, 0, 1, 1], [], []>, transpose_lhs_hint = false} : vector<4096x128xf32>, vector<128x8xf32>, vector<4096x8xf32> -> vector<4096x8xf32>
    %add3A_222 = arith.addf %add3A_193, %dot_general3A_221 : vector<4096x8xf32>
    %get3A_223 = arith.constant 4 : index
    %get3A_224 = arith.constant 0 : index
    %get3A_225 = arith.constant 0 : index
    %get3A_226 = vector.load %arg9[%get3A_223, %get3A_224, %get3A_225] : memref<5x128x8xf32, #tpu.memory_space<vmem>>, vector<1x128x8xf32>
    %get3A_227 = vector.shape_cast %get3A_226 : vector<1x128x8xf32> to vector<128x8xf32>
    %dot_general3A_228 = arith.constant dense<0.000000e+00> : vector<4096x8xf32>
    %dot_general3A_229 = tpu.matmul %max3A_208, %get3A_227, %dot_general3A_228 {dimension_numbers = #tpu.dot_dimension_numbers<[1], [0], [0], [1], [0, 0, 1, 1], [], []>, transpose_lhs_hint = false} : vector<4096x128xf32>, vector<128x8xf32>, vector<4096x8xf32> -> vector<4096x8xf32>
    %add3A_230 = arith.addf %add3A_222, %dot_general3A_229 : vector<4096x8xf32>
    %swap3A = arith.constant 0 : index
    %swap3A_231 = arith.constant 0 : index
    %swap3A_232 = vector.load %arg13[%swap3A, %swap3A_231] : memref<4096x8xf32, #tpu.memory_space<vmem>>, vector<4096x8xf32>
    tpu.vector_store %arg13[%swap3A, %swap3A_231], %add3A_230 {strides = array<i32>} : memref<4096x8xf32, #tpu.memory_space<vmem>>, vector<4096x8xf32>,
    return
  }
  func.func @transform_0(%arg0: i32) -> (i32, i32) {
    %c0_i32 = arith.constant 0 : i32
    %c0_i32_0 = arith.constant 0 : i32
    return %arg0, %c0_i32 : i32, i32
  }
  func.func @transform_1(%arg0: i32) -> (i32, i32) {
    %c0_i32 = arith.constant 0 : i32
    %c0_i32_0 = arith.constant 0 : i32
    return %arg0, %c0_i32 : i32, i32
  }
  func.func @transform_2(%arg0: i32) -> (i32, i32, i32) {
    %c0_i32 = arith.constant 0 : i32
    %c0_i32_0 = arith.constant 0 : i32
    %c0_i32_1 = arith.constant 0 : i32
    return %c0_i32, %arg0, %c0_i32_0 : i32, i32, i32
  }
  func.func @transform_3(%arg0: i32) -> (i32, i32) {
    %c0_i32 = arith.constant 0 : i32
    %c0_i32_0 = arith.constant 0 : i32
    %c0_i32_1 = arith.constant 0 : i32
    return %c0_i32, %c0_i32_0 : i32, i32
  }
  func.func @transform_4(%arg0: i32) -> (i32, i32) {
    %c0_i32 = arith.constant 0 : i32
    %c0_i32_0 = arith.constant 0 : i32
    %c0_i32_1 = arith.constant 0 : i32
    return %c0_i32, %c0_i32_0 : i32, i32
  }
  func.func @transform_5(%arg0: i32) -> (i32, i32) {
    %c0_i32 = arith.constant 0 : i32
    %c0_i32_0 = arith.constant 0 : i32
    %c0_i32_1 = arith.constant 0 : i32
    return %c0_i32, %c0_i32_0 : i32, i32
  }
  func.func @transform_6(%arg0: i32) -> (i32, i32) {
    %c0_i32 = arith.constant 0 : i32
    %c0_i32_0 = arith.constant 0 : i32
    %c0_i32_1 = arith.constant 0 : i32
    return %c0_i32, %c0_i32_0 : i32, i32
  }
  func.func @transform_7(%arg0: i32) -> (i32, i32, i32) {
    %c0_i32 = arith.constant 0 : i32
    %c0_i32_0 = arith.constant 0 : i32
    %c0_i32_1 = arith.constant 0 : i32
    %c0_i32_2 = arith.constant 0 : i32
    return %c0_i32, %c0_i32_0, %c0_i32_1 : i32, i32, i32
  }
  func.func @transform_8(%arg0: i32) -> (i32, i32, i32) {
    %c0_i32 = arith.constant 0 : i32
    %c0_i32_0 = arith.constant 0 : i32
    %c0_i32_1 = arith.constant 0 : i32
    %c0_i32_2 = arith.constant 0 : i32
    return %c0_i32, %c0_i32_0, %c0_i32_1 : i32, i32, i32
  }
  func.func @transform_9(%arg0: i32) -> (i32, i32) {
    %c0_i32 = arith.constant 0 : i32
    %c0_i32_0 = arith.constant 0 : i32
    %c0_i32_1 = arith.constant 0 : i32
    return %c0_i32, %c0_i32_0 : i32, i32
  }
  func.func @transform_10(%arg0: i32) -> (i32, i32) {
    %c0_i32 = arith.constant 0 : i32
    %c0_i32_0 = arith.constant 0 : i32
    %c0_i32_1 = arith.constant 0 : i32
    return %c0_i32, %c0_i32_0 : i32, i32
  }
  func.func @transform_11(%arg0: i32) -> (i32, i32) {
    %c0_i32 = arith.constant 0 : i32
    %c0_i32_0 = arith.constant 0 : i32
    %c0_i32_1 = arith.constant 0 : i32
    return %c0_i32, %c0_i32_0 : i32, i32
  }
  func.func @transform_12(%arg0: i32) -> (i32, i32) {
    %c0_i32 = arith.constant 0 : i32
    %c0_i32_0 = arith.constant 0 : i32
    return %arg0, %c0_i32 : i32, i32
  }
}

</mosaic_0001>

<sc_bundles>
// kernel: kernel.5.cloned.1.call-start
scs
__scs_entry_jumppad:
0x0: {  	(pc) =	sbr.rel $0x88, $3  }
0x1: {  	(tag) =	ssettag $0x0;
	lr =	simm.s32 $0x1  }
0x2: {  	[smem:$0x3F94] =	sst lr;
	_ =	strace $0xD0000000  }
0x3: {  	_ = 	snop  }
0x4: {  	_ = 	snop  }
0x5: {  	_ = 	snop  }
0x6: {  	_ = 	snop  }
0x7: {  	_ = 	snop  }
__scs_overlays_trampoline_lowered:
0x8: {  	[smem:$0x3FA3] =	sst s0  }
0x9: {  	[smem:$0x3FA4] =	sst s1  }
0xa: {  	[smem:$0x3FA5] =	sst s2  }
0xb: {  	[smem:$0x3FA6] =	sst s3  }
0xc: {  	[smem:$0x3FA7] =	sst s4  }
0xd: {  	[smem:$0x3FA8] =	sst s5  }
0xe: {  	[smem:$0x3FA9] =	sst s6  }
0xf: {  	[smem:$0x3FAA] =	sst s7  }
0x10: {  	[smem:$0x3FAB] =	sst s8  }
0x11: {  	[smem:$0x3FAC] =	sst s9;
	s0 =	simm.s32 @!p0 $0x0  }
0x12: {  	s1 =	sld [smem:$0x3F92];
	s0 =	simm.s32 @p0 $0x1  }
0x13: {  	[smem:$0x3FAD] =	sst s0;
	s0 =	simm.s32 @!p1 $0x0  }
0x14: {  	s2 =	sld [smem:$0x3F91];
	s0 =	simm.s32 @p1 $0x1  }
0x15: {  	[smem:$0x3FAE] =	sst s0;
	s0 =	simm.s32 @!p2 $0x0  }
0x16: {  	s3 =	sld [smem:$0x3FDB];
	s0 =	simm.s32 @p2 $0x1  }
0x17: {  	s4 =	simm.s32 $0x1BF5;
	[smem:$0x3FB0] =	sst s0  }
0x18: {  	s0 =	sld [smem:$0x3F93];
	_ =	swait.ge [sflag:s4], $0x0  }
0x19: {  	s7 =	sld [smem:$0x3F94]  }
0x1a: {  	s8 =	sadd.s32 $0xFFFFE003, lr  }
0x1b: {  	s9 =	sadd.s32 $0xFFFFFEF7, lr;
	s5 =	simm.s32 $0xFFFFFFFF;
	p2 =	slt.u32 s8, $0xFFFFF086  }
0x1c: {  	p1 =	slt.u32 s9, $0xF7A;
	s5 =	simm.s32 @!p2 $0x0  }
0x1d: {  	s5 =	simm.s32 @p1 $0x1;
	p0 =	seq.s32 s7, s2  }
0x1e: {  	s7 =	smul.u32 @!p0 $0xF7A, s2;
	p2 =	seq.s32 @!p0 s5, $0x0  }
0x1f: {  	s9 =	smul.u32 $0xF7A, s1;
	s8 =	simm.s32 @!p0 $0x1BF5;
	p2 =	por !p2, p0  }
0x20: {  	[sflag:s8] =	ssyncset.s32 @!p0 $0xFFFFF086;
	s6 =	sadd.s32 @!p0 s3, s7;
	s7 =	simm.s32 @!p0 $0x108  }
0x21: {  	s3 =	sadd.s32 s3, s9;
	s6 =	sadd.s32 @!p0 $0x88, s6;
	s7 =	simm.s32 @p2 $0x1082  }
0x22: {  	[simem:s7], [sflag:s8] =	dma.local @!p0 [hbm:s6], $0xF7A  }
0x23: {  	s9 =	sor.u32 $0xD0000000, s2;
	s6 =	simm.s32 $0x108;
	_ =	swait.ge @!p0 [sflag:s8], $0x0  }
0x24: {  	s3 =	sadd.s32 $0x88, s3;
	s6 =	simm.s32 @!p1 $0x1082;
	[sflag:s4] =	ssyncset.s32 $0xFFFFF086  }
0x25: {  	[simem:s6], [sflag:s4] =	dma.local [hbm:s3], $0xF7A  }
0x26: {  	[smem:$0x3F94] =	sst s1;
	(tag) =	ssettag s2;
	_ =	strace s9  }
0x27: {  	s1 =	sld [smem:$0x3FA4]  }
0x28: {  	s2 =	sld [smem:$0x3FA5]  }
0x29: {  	s4 =	sld [smem:$0x3FA7]  }
0x2a: {  	p0 =	seq.s32 s5, $0x0;
	s5 =	sld [smem:$0x3FA8]  }
0x2b: {  	s6 =	sld [smem:$0x3FA9]  }
0x2c: {  	s7 =	sld [smem:$0x3FAA]  }
0x2d: {  	s3 =	simm.s32 $0x108;
	s8 =	sld [smem:$0x3FAB]  }
0x2e: {  	s3 =	simm.s32 @!p0 $0x1082;
	s9 =	sld [smem:$0x3FAC]  }
0x2f: {  	lr =	sadd.s32 s0, s3;
	s0 =	sld [smem:$0x3FA3]  }
0x30: {  	s3 =	sld [smem:$0x3FA6]  }
0x31: {  	[smem:$0x3FAF] =	sst s10  }
0x32: {  	s10 =	sld [smem:$0x3FAD];
	_ =	sdelay $0x3  }
0x33: {  	p0 =	seq.s32 s10, $0x1;
	s10 =	sld [smem:$0x3FAF];
	_ =	sdelay $0x3  }
0x34: {  	[smem:$0x3FAF] =	sst s10  }
0x35: {  	s10 =	sld [smem:$0x3FAE];
	_ =	sdelay $0x3  }
0x36: {  	p1 =	seq.s32 s10, $0x1;
	s10 =	sld [smem:$0x3FAF];
	_ =	sdelay $0x3  }
0x37: {  	[smem:$0x3FAF] =	sst s10  }
0x38: {  	s10 =	sld [smem:$0x3FB0]  }
0x39: {  	_ = 	snop;
	(pc) =	sbr.ind lr, $3  }
0x3a: {  	_ = 	snop  }
0x3b: {  	_ = 	snop  }
0x3c: {  	p2 =	seq.s32 s10, $0x1;
	s10 =	sld [smem:$0x3FAF]  }
0x3d: {  	_ =	shalt  }
0x3e: {  	_ =	shalt  }
0x3f: {  	_ =	shalt  }
0x40: {  	_ =	shalt  }
0x41: {  	_ =	shalt  }
0x42: {  	_ =	shalt  }
0x43: {  	_ =	shalt  }
0x44: {  	_ =	shalt  }
0x45: {  	_ =	shalt  }
0x46: {  	_ =	shalt  }
0x47: {  	_ =	shalt  }
0x48: {  	_ =	shalt  }
0x49: {  	_ =	shalt  }
0x4a: {  	_ =	shalt  }
0x4b: {  	_ =	shalt  }
0x4c: {  	_ =	shalt  }
0x4d: {  	_ =	shalt  }
0x4e: {  	_ =	shalt  }
0x4f: {  	_ =	shalt  }
0x50: {  	_ =	shalt  }
0x51: {  	_ =	shalt  }
0x52: {  	_ =	shalt  }
0x53: {  	_ =	shalt  }
0x54: {  	_ =	shalt  }
0x55: {  	_ =	shalt  }
0x56: {  	_ =	shalt  }
0x57: {  	_ =	shalt  }
0x58: {  	_ =	shalt  }
0x59: {  	_ =	shalt  }
0x5a: {  	_ =	shalt  }
0x5b: {  	_ =	shalt  }
0x5c: {  	_ =	shalt  }
0x5d: {  	_ =	shalt  }
0x5e: {  	_ =	shalt  }
0x5f: {  	_ =	shalt  }
0x60: {  	_ =	shalt  }
0x61: {  	_ =	shalt  }
0x62: {  	_ =	shalt  }
0x63: {  	_ =	shalt  }
0x64: {  	_ =	shalt  }
0x65: {  	_ =	shalt  }
0x66: {  	_ =	shalt  }
0x67: {  	_ =	shalt  }
0x68: {  	_ =	shalt  }
0x69: {  	_ =	shalt  }
0x6a: {  	_ =	shalt  }
0x6b: {  	_ =	shalt  }
0x6c: {  	_ =	shalt  }
0x6d: {  	_ =	shalt  }
0x6e: {  	_ =	shalt  }
0x6f: {  	_ =	shalt  }
0x70: {  	_ =	shalt  }
0x71: {  	_ =	shalt  }
0x72: {  	_ =	shalt  }
0x73: {  	_ =	shalt  }
0x74: {  	_ =	shalt  }
0x75: {  	_ =	shalt  }
0x76: {  	_ =	shalt  }
0x77: {  	_ =	shalt  }
0x78: {  	_ =	shalt  }
0x79: {  	_ =	shalt  }
0x7a: {  	_ =	shalt  }
0x7b: {  	_ =	shalt  }
0x7c: {  	_ =	shalt  }
0x7d: {  	_ =	shalt  }
0x7e: {  	_ =	shalt  }
0x7f: {  	_ =	shalt  }
0x80: {  	_ =	shalt  }
0x81: {  	_ =	shalt  }
0x82: {  	_ =	shalt  }
0x83: {  	_ =	shalt  }
0x84: {  	_ =	shalt  }
0x85: {  	_ =	shalt  }
0x86: {  	_ =	shalt  }
0x87: {  	_ =	shalt  }
.Lfunc_end0:
.L_simem_size_0:
called_computation_lowered:
.L_overlay_start_0:
0x88: {  	s2 =	sld [smem:$0x3FD9]  }
0x89: {  	s3 =	sld [smem:$0x3FFE];
	_ =	sdelay $0x1  }
0x8a: {  	s1 =	srdreg.scid  }
0x8b: {  	s0 =	sand.u32 $0x1, s1  }
0x8c: {  	s14 =	sshll.u32 s0, $0xA;
	s2 =	sadd.s32 s3, s2  }
0x8d: {  	s2 =	sadd.s32 s2, s14  }
0x8e: {  	[smem:$0x3FBB] =	sst s2  }
0x8f: {  	_ = 	snop  }
0x90: {  	s2 =	sld [smem:$0x3FD0];
	_ =	sdelay $0x1  }
0x91: {  	s15 =	sld [smem:$0x3FC9]  }
0x92: {  	s5 =	simm.s32 $0xA;
	s6 =	simm.s32 $0x10;
	s4 =	sld [smem:$0x3FC8]  }
0x93: {  	[smem:s6], [sflag:s5] =	dma.local [hbm:s2], $0x1  }
0x94: {  	_ =	swait.eq [sflag:s5], $0x1  }
0x95: {  	[sflag:s5] =	ssyncset.done $0x0  }
0x96: {  	[sflag:s5] =	ssyncadd.s32 $0xFFFFFFFF  }
0x97: {  	s16 =	sld [smem:$0x11];
	(tm) =	ssettm $0x1  }
0x98: {  	s17 =	sld [smem:$0x3FFB];
	_ =	sdelay $0x3  }
0x99: {  	_ =	strace s17  }
0x9a: {  	s5 =	sld [smem:$0x3FFC];
	_ =	sdelay $0x3  }
0x9b: {  	_ =	strace s5  }
0x9c: {  	s5 =	sld [smem:$0x3FFD];
	_ =	sdelay $0x3  }
0x9d: {  	_ =	strace s5  }
0x9e: {  	_ =	strace $0x8FFFFFFF  }
0x9f: {  	s18 =	sld [smem:$0x3FDB];
	_ =	sdelay $0x1  }
0xa0: {  	s19 =	simm.s32 $_scs_section_size  }
0xa1: {  	s7 =	simm.s32 $_size__tile_overlayer_lowered;
	s8 =	simm.s32 $_tile_overlayer_lowered  }
0xa2: {  	s22 =	simm.s32 $0x1BFF;
	s21 =	sshll.u32 s8, $0x1;
	s5 =	sadd.s32 s19, s18  }
0xa3: {  	s9 =	simm.s32 $0x0;
	s20 =	sshll.u32 s7, $0x1;
	s7 =	sadd.s32 s21, s5  }
0xa4: {  	[timem:s9], [sflag:s22] =	dma.local [hbm:s7], s20  }
0xa5: {  	_ =	swait.ge [sflag:s22], s20  }
0xa6: {  	s6 =	ssub.s32 $0x0, s20;
	[sflag:s22] =	ssyncset.done $0x0  }
0xa7: {  	[sflag:s22] =	ssyncadd.s32 s6;
	_ =	sdelay $0x1  }
0xa8: {  	s23 =	simm.s32 $0x1B8B  }
0xa9: {  	_ =	swait.ge [sflag:s23], $0x1  }
0xaa: {  	[sflag:s23] =	ssyncset.done $0x0  }
0xab: {  	s25 =	simm.s32 $0x1B8E;
	s24 =	sld [smem:$0x3FFE];
	[sflag:s23] =	ssyncadd.s32 $0xFFFFFFFF  }
0xac: {  	s26 =	simm.s32 $execute0_lowered;
	[smem:$0x3FD2] =	sst s25  }
0xad: {  	s7 =	sshll.u32 s26, $0x1;
	_ =	strace $0x80000046;
	[dreg:$0x1] =	wrdreg $0xFFFFFFFF  }
0xae: {  	s28 =	simm.s32 $_size_execute0_lowered;
	s5 =	sadd.s32 s5, s7;
	[dreg:$0x0] =	wrdreg $0x0  }
0xaf: {  	s7 =	sshll.u32 s28, $0x1;
	[dreg:$0x2] =	wrdreg s5  }
0xb0: {  	[dreg:$0x3] =	wrdreg s7  }
0xb1: {  	[dreg:$0x4] =	wrdreg $0xC0  }
0xb2: {  	_ =	task [dreg:s9], $0x5FFFF  }
0xb3: {  	[dreg:$0x1] =	wrdreg $0xFFFFFFFF  }
0xb4: {  	[dreg:$0x0] =	wrdreg $0x60  }
0xb5: {  	[dreg:$0x2] =	wrdreg s15  }
0xb6: {  	[dreg:$0x3] =	wrdreg s4  }
0xb7: {  	[dreg:$0x4] =	wrdreg s16  }
0xb8: {  	[dreg:$0x5] =	wrdreg s24  }
0xb9: {  	[dreg:$0x6] =	wrdreg $0x9  }
0xba: {  	_ =	task.clear_ibuf [dreg:s9], $0x7FFFF;
	_ =	strace $0x90000046  }
0xbb: {  	s29 =	simm.s32 $0x9;
	_ =	strace $0x80000048  }
0xbc: {  	_ =	swait.ge [sflag:s29], $0x1  }
0xbd: {  	[sflag:s29] =	ssyncadd.s32 $0xFFFFFFFF  }
0xbe: {  	_ =	strace $0x90000048  }
0xbf: {  	_ =	sfence  }
0xc0: {  	s30 =	sld [smem:$0x0];
	_ =	sdelay $0x2  }
0xc1: {  	s31 =	sshll.u32 s1, $0xD;
	s1 =	sshrl.u32 s1, $0x2  }
0xc2: {  	s3 =	sand.u32 $0x4000, s31;
	s1 =	sadd.s32 s1, s30  }
0xc3: {  	s0 =	sor.u32 s3, s0;
	s1 =	sshll.u32 s1, $0x11  }
0xc4: {  	s0 =	sor.u32 s1, s0  }
0xc5: {  	s0 =	sadd.s32 $0x8F2B, s0  }
0xc6: {  	[sflag:s0] =	ssyncadd.remote.s32 $0x1  }
0xc7: {  	_ =	sfence.sel $0xFFFF  }
0xc8: {  	[dreg:$0x0] =	wrdreg $0xFFFFFFFF;
	(pc) =	sbr.abs _section_cstart, $3  }
0xc9: {  	[dreg:$0x1] =	wrdreg $0xFFFFFFFF  }
0xca: {  	_ =	task.clear_ibuf [dreg:s9], $0x2FFFF;
	_ =	strace $0x9FFFFFFF  }
0xcb: {  	(tm) =	ssettm $0x7FFFFFFF  }
tec
execute0_lowered:
.L_overlay_start_1:
0x0: {  	(tag) =	ssettag $0x1  }
0x1: {  	s0 =	rddreg [dreg:$0x0]  }
0x2: {  	s1 =	rddreg [dreg:$0x1]  }
0x3: {  	s4 =	rddreg [dreg:$0x2]  }
0x4: {  	s2 =	srdreg.scid;
	s15 =	stileid.u32  }
0x5: {  	s3 =	rddreg [dreg:$0x3];
	s31 =	simm.s32 $0x6;
	s30 =	simm.s32 $0x200  }
0x6: {  	s29 =	simm.s32 $0x600;
	s28 =	simm.s32 $0x780;
	p0 =	por $0x0, $0x0  }
0x7: {  	s5 =	sand.u32 $0x1, s2;
	s6 =	sshll.u32 s15, $0x1;
	s2 =	simm.s32 $0x0  }
0x8: {  	s8 =	sadd.s32 $0xF42400, s3;
	s22 =	sadd.s32 $0xF82400, s3;
	s6 =	sor.u32 s5, s6  }
0x9: {  	[smem:$0x7FF] =	sst s2;
	s11 =	ssub.s32 $0x2, s5;
	s7 =	sshll.u32 s6, $0x6  }
0xa: {  	_ =	strace $0x80000047;
	s17 =	sshll.u32 s6, $0x8;
	s0 =	sadd.s32 s0, s7  }
0xb: {  	s19 =	sshll.u32 s6, $0xD;
	s16 =	sadd.s32 s1, s7;
	[dreg:$0x5] =	wrdreg s0  }
0xc: {  	s6 =	sshll.u32 s6, $0xF;
	s18 =	sadd.s32 s4, s17;
	[dreg:$0x6] =	wrdreg s16  }
0xd: {  	s5 =	sshrl.u32 s11, $0x1;
	s20 =	sadd.s32 s8, s19;
	[dreg:$0x7] =	wrdreg s18  }
0xe: {  	s21 =	sor.u32 $0x1000, s19;
	s24 =	sadd.s32 s22, s19;
	[dreg:$0x8] =	wrdreg s20  }
0xf: {  	s25 =	sadd.s32 s6, s3;
	s19 =	simm.s32 $0x180;
	[dreg:$0xa] =	wrdreg s24  }
0x10: {  	s14 =	ssub.s32 s11, s5;
	s23 =	sadd.s32 s8, s21;
	[dreg:$0x15] =	wrdreg s19  }
0x11: {  	s11 =	simm.s32 $0xC00;
	s26 =	sadd.s32 s22, s21;
	[dreg:$0x9] =	wrdreg s23  }
0x12: {  	s5 =	simm.s32 $0x8C00;
	s4 =	sadd.s32 $0xFC2400, s25;
	[dreg:$0xb] =	wrdreg s26  }
0x13: {  	s17 =	simm.s32 $0x3;
	s6 =	sadd.s32 $0xFC3400, s25;
	[dreg:$0xc] =	wrdreg s4  }
0x14: {  	s7 =	sadd.s32 $0xFC4400, s25;
	s8 =	sadd.s32 $0xFC5400, s25;
	[dreg:$0xd] =	wrdreg s6  }
0x15: {  	s9 =	sadd.s32 $0xFC6400, s25;
	s10 =	sadd.s32 $0xFC7400, s25;
	[dreg:$0xe] =	wrdreg s7  }
0x16: {  	s12 =	sadd.s32 $0xFC8400, s25;
	s13 =	sadd.s32 $0xFC9400, s25;
	[dreg:$0xf] =	wrdreg s8  }
0x17: {  	s16 =	smax.u32 s14, $0x1;
	s18 =	simm.s32 $0x100;
	[dreg:$0x10] =	wrdreg s9  }
0x18: {  	s14 =	simm.s32 $0x4C00;
	s20 =	simm.s32 $0x280;
	[dreg:$0x11] =	wrdreg s10  }
0x19: {  	s21 =	simm.s32 $0x300;
	s22 =	simm.s32 $0x380;
	[dreg:$0x12] =	wrdreg s12  }
0x1a: {  	s24 =	simm.s32 $0x500;
	s25 =	simm.s32 $0x580;
	[dreg:$0x13] =	wrdreg s13  }
0x1b: {  	s19 =	simm.s32 $0xA00;
	s26 =	simm.s32 $0x400;
	[dreg:$0x14] =	wrdreg s18  }
0x1c: {  	s6 =	simm.s32 $0x80;
	s13 =	simm.s32 $0xCC00;
	[dreg:$0x16] =	wrdreg s20  }
0x1d: {  	s7 =	simm.s32 $0x1;
	s4 =	simm.s32 $0x10C00;
	[dreg:$0x17] =	wrdreg s21  }
0x1e: {  	s12 =	simm.s32 $0x14C00;
	s8 =	simm.s32 $0x2;
	[dreg:$0x18] =	wrdreg s22  }
0x1f: {  	s23 =	simm.s32 $0x480;
	s9 =	simm.s32 $0x4;
	p1 =	sne.s32 s16, $0x1  }
.Ltmp0:
0x20: {  	[dreg:$0x1a] =	wrdreg s24;
	s10 =	simm.s32 $0x5;
	(pc) =	sbr.rel @!p1 .LBB2_1-.Ltmp0, $4  }
0x21: {  	[dreg:$0x1b] =	wrdreg s25;
	s25 =	simm.s32 $0x700;
	s24 =	simm.s32 $0x880  }
0x22: {  	s1 =	sadd.s32 $0xFFFFFFFF, s16;
	s21 =	simm.s32 $0x900;
	s22 =	simm.s32 $0x980  }
0x23: {  	s20 =	simm.s32 $0xA80;
	s16 =	simm.s32 $0xB00;
	s0 =	rddreg [dreg:$0x5]  }
0x24: {  	s18 =	simm.s32 $0xB80;
	[dreg:$0x19] =	wrdreg s23;
	s23 =	simm.s32 $0x680  }
0x25: {  	[tilespmem:s2], [sflag:$0x6] =	stream.linear.gather [hbm4b:s0+s2], $0x200, $0x38;
	[tilespmem:$0x18C00] =	vst v63  }
0x26: {  	_ =	swait.ge [sflag:s31], $0x200  }
0x27: {  	[sflag:s31] =	ssyncset.done $0x0  }
0x28: {  	s15 =	rddreg [dreg:$0x6];
	[sflag:s31] =	ssyncadd.s32 $0xFFFFFE00  }
0x29: {  	[tilespmem:s30], [sflag:$0x6] =	stream.linear.gather [hbm4b:s15+s2], $0x200, $0x38;
	[tilespmem:$0x18C00] =	vst v63  }
0x2a: {  	_ =	swait.ge [sflag:s31], $0x200  }
0x2b: {  	[sflag:s31] =	ssyncset.done $0x0  }
0x2c: {  	s15 =	rddreg [dreg:$0x7];
	[sflag:s31] =	ssyncadd.s32 $0xFFFFFE00  }
0x2d: {  	[tilespmem:s26], [sflag:$0x6] =	stream.linear.gather [hbm4b:s15+s2], $0x800, $0x38;
	[tilespmem:$0x18C00] =	vst v63  }
0x2e: {  	_ =	swait.ge [sflag:s31], $0x800  }
0x2f: {  	[sflag:s31] =	ssyncset.done $0x0  }
0x30: {  	[sflag:s31] =	ssyncadd.s32 $0xFFFFF800  }
0x31: {  	[tilespmem:s11], [sflag:$0x1] =	stream.indirect.gather [hbm4b:s3+s6], $0x80, s2, s6, $0xb8;
	[tilespmem:$0x18C00] =	vst v63  }
0x32: {  	_ = 	snop  }
0x33: {  	[tilespmem:s14], [sflag:$0x1] =	stream.indirect.gather [hbm4b:s3+s6], $0x80, s6, s6, $0xb8;
	[tilespmem:$0x18C00] =	vst v63  }
0x34: {  	s0 =	rddreg [dreg:$0x14]  }
0x35: {  	[tilespmem:s5], [sflag:$0x2] =	stream.indirect.gather [hbm4b:s3+s6], $0x80, s0, s6, $0xb8;
	[tilespmem:$0x18C00] =	vst v63  }
0x36: {  	s15 =	smov.u32 s1;
	s1 =	rddreg [dreg:$0x15]  }
0x37: {  	[tilespmem:s13], [sflag:$0x2] =	stream.indirect.gather [hbm4b:s3+s6], $0x80, s1, s6, $0xb8;
	[tilespmem:$0x18C00] =	vst v63  }
0x38: {  	_ =	swait.ge [sflag:s7], $0x4000  }
0x39: {  	[sflag:s7] =	ssyncset.done $0x0  }
0x3a: {  	[sflag:s7] =	ssyncadd.s32 $0xFFFFC000  }
0x3b: {  	_ =	swait.ge [sflag:s7], $0x4000  }
0x3c: {  	[sflag:s7] =	ssyncset.done $0x0  }
0x3d: {  	s1 =	rddreg [dreg:$0x8];
	[sflag:s7] =	ssyncadd.s32 $0xFFFFC000  }
0x3e: {  	[hbm4b:s1+s2] =	stream.linear.scatter [tilespmem:s11], [sflag:$0x3], $0x8000, $0x38;
	[tilespmem:$0x18C00] =	vst v63  }
0x3f: {  	_ = 	snop  }
0x40: {  	[tilespmem:s4], [sflag:$0x1] =	stream.indirect.gather [hbm4b:s3+s6], $0x80, s30, s6, $0xb8;
	[tilespmem:$0x18C00] =	vst v63  }
0x41: {  	s1 =	rddreg [dreg:$0x16]  }
0x42: {  	[tilespmem:s12], [sflag:$0x1] =	stream.indirect.gather [hbm4b:s3+s6], $0x80, s1, s6, $0xb8;
	[tilespmem:$0x18C00] =	vst v63  }
0x43: {  	_ =	swait.ge [sflag:s8], $0x4000  }
0x44: {  	[sflag:s8] =	ssyncset.done $0x0  }
0x45: {  	[sflag:s8] =	ssyncadd.s32 $0xFFFFC000  }
0x46: {  	_ =	swait.ge [sflag:s8], $0x4000  }
0x47: {  	[sflag:s8] =	ssyncset.done $0x0  }
0x48: {  	s1 =	rddreg [dreg:$0x9];
	[sflag:s8] =	ssyncadd.s32 $0xFFFFC000  }
0x49: {  	[hbm4b:s1+s2] =	stream.linear.scatter [tilespmem:s5], [sflag:$0x4], $0x8000, $0x38;
	[tilespmem:$0x18C00] =	vst v63  }
0x4a: {  	_ =	swait.ge [sflag:s17], $0x8000  }
0x4b: {  	[sflag:s17] =	ssyncset.done $0x0  }
0x4c: {  	s0 =	rddreg [dreg:$0x17];
	[sflag:s17] =	ssyncadd.s32 $0xFFFF8000  }
0x4d: {  	[tilespmem:s11], [sflag:$0x2] =	stream.indirect.gather [hbm4b:s3+s6], $0x80, s0, s6, $0xb8;
	[tilespmem:$0x18C00] =	vst v63  }
0x4e: {  	s1 =	rddreg [dreg:$0x18]  }
0x4f: {  	[tilespmem:s14], [sflag:$0x2] =	stream.indirect.gather [hbm4b:s3+s6], $0x80, s1, s6, $0xb8;
	[tilespmem:$0x18C00] =	vst v63  }
0x50: {  	_ =	swait.ge [sflag:s7], $0x4000  }
0x51: {  	[sflag:s7] =	ssyncset.done $0x0  }
0x52: {  	[sflag:s7] =	ssyncadd.s32 $0xFFFFC000  }
0x53: {  	_ =	swait.ge [sflag:s7], $0x4000  }
0x54: {  	[sflag:s7] =	ssyncset.done $0x0  }
0x55: {  	s1 =	rddreg [dreg:$0xa];
	[sflag:s7] =	ssyncadd.s32 $0xFFFFC000  }
0x56: {  	[hbm4b:s1+s2] =	stream.linear.scatter [tilespmem:s4], [sflag:$0x5], $0x8000, $0x38;
	[tilespmem:$0x18C00] =	vst v63  }
0x57: {  	_ =	swait.ge [sflag:s9], $0x8000  }
0x58: {  	[sflag:s9] =	ssyncset.done $0x0  }
0x59: {  	[sflag:s9] =	ssyncadd.s32 $0xFFFF8000  }
0x5a: {  	[tilespmem:s5], [sflag:$0x1] =	stream.indirect.gather [hbm4b:s3+s6], $0x80, s26, s6, $0xb8;
	[tilespmem:$0x18C00] =	vst v63  }
0x5b: {  	s1 =	rddreg [dreg:$0x19]  }
0x5c: {  	[tilespmem:s13], [sflag:$0x1] =	stream.indirect.gather [hbm4b:s3+s6], $0x80, s1, s6, $0xb8;
	[tilespmem:$0x18C00] =	vst v63  }
0x5d: {  	_ =	swait.ge [sflag:s8], $0x4000  }
0x5e: {  	[sflag:s8] =	ssyncset.done $0x0  }
0x5f: {  	[sflag:s8] =	ssyncadd.s32 $0xFFFFC000  }
0x60: {  	_ =	swait.ge [sflag:s8], $0x4000  }
0x61: {  	[sflag:s8] =	ssyncset.done $0x0  }
0x62: {  	s1 =	rddreg [dreg:$0xb];
	[sflag:s8] =	ssyncadd.s32 $0xFFFFC000  }
0x63: {  	[hbm4b:s1+s2] =	stream.linear.scatter [tilespmem:s11], [sflag:$0x3], $0x8000, $0x38;
	[tilespmem:$0x18C00] =	vst v63  }
0x64: {  	_ =	swait.ge [sflag:s10], $0x8000  }
0x65: {  	[sflag:s10] =	ssyncset.done $0x0  }
0x66: {  	s0 =	rddreg [dreg:$0x1a];
	[sflag:s10] =	ssyncadd.s32 $0xFFFF8000  }
0x67: {  	[tilespmem:s4], [sflag:$0x2] =	stream.indirect.gather [hbm4b:s3+s6], $0x80, s0, s6, $0xb8;
	[tilespmem:$0x18C00] =	vst v63  }
0x68: {  	s1 =	rddreg [dreg:$0x1b]  }
0x69: {  	[tilespmem:s12], [sflag:$0x2] =	stream.indirect.gather [hbm4b:s3+s6], $0x80, s1, s6, $0xb8;
	[tilespmem:$0x18C00] =	vst v63  }
0x6a: {  	_ =	swait.ge [sflag:s7], $0x4000  }
0x6b: {  	[sflag:s7] =	ssyncset.done $0x0  }
0x6c: {  	[sflag:s7] =	ssyncadd.s32 $0xFFFFC000  }
0x6d: {  	_ =	swait.ge [sflag:s7], $0x4000  }
0x6e: {  	[sflag:s7] =	ssyncset.done $0x0  }
0x6f: {  	s1 =	rddreg [dreg:$0xc];
	[sflag:s7] =	ssyncadd.s32 $0xFFFFC000  }
0x70: {  	[hbm4b:s1+s2] =	stream.linear.scatter [tilespmem:s5], [sflag:$0x4], $0x8000, $0x38;
	[tilespmem:$0x18C00] =	vst v63  }
0x71: {  	_ =	swait.ge [sflag:s17], $0x8000  }
0x72: {  	[sflag:s17] =	ssyncset.done $0x0  }
0x73: {  	[sflag:s17] =	ssyncadd.s32 $0xFFFF8000  }
0x74: {  	[tilespmem:s11], [sflag:$0x1] =	stream.indirect.gather [hbm4b:s3+s6], $0x80, s29, s6, $0xb8;
	[tilespmem:$0x18C00] =	vst v63  }
0x75: {  	_ = 	snop  }
0x76: {  	[tilespmem:s14], [sflag:$0x1] =	stream.indirect.gather [hbm4b:s3+s6], $0x80, s23, s6, $0xb8;
	[tilespmem:$0x18C00] =	vst v63  }
0x77: {  	_ =	swait.ge [sflag:s8], $0x4000  }
0x78: {  	[sflag:s8] =	ssyncset.done $0x0  }
0x79: {  	[sflag:s8] =	ssyncadd.s32 $0xFFFFC000  }
0x7a: {  	_ =	swait.ge [sflag:s8], $0x4000  }
0x7b: {  	[sflag:s8] =	ssyncset.done $0x0  }
0x7c: {  	s1 =	rddreg [dreg:$0xd];
	[sflag:s8] =	ssyncadd.s32 $0xFFFFC000  }
0x7d: {  	[hbm4b:s1+s2] =	stream.linear.scatter [tilespmem:s4], [sflag:$0x5], $0x8000, $0x38;
	[tilespmem:$0x18C00] =	vst v63  }
0x7e: {  	_ =	swait.ge [sflag:s9], $0x8000  }
0x7f: {  	[sflag:s9] =	ssyncset.done $0x0  }
0x80: {  	[sflag:s9] =	ssyncadd.s32 $0xFFFF8000  }
0x81: {  	[tilespmem:s5], [sflag:$0x2] =	stream.indirect.gather [hbm4b:s3+s6], $0x80, s25, s6, $0xb8;
	[tilespmem:$0x18C00] =	vst v63  }
0x82: {  	_ = 	snop  }
0x83: {  	[tilespmem:s13], [sflag:$0x2] =	stream.indirect.gather [hbm4b:s3+s6], $0x80, s28, s6, $0xb8;
	[tilespmem:$0x18C00] =	vst v63  }
0x84: {  	_ =	swait.ge [sflag:s7], $0x4000  }
0x85: {  	[sflag:s7] =	ssyncset.done $0x0  }
0x86: {  	[sflag:s7] =	ssyncadd.s32 $0xFFFFC000  }
0x87: {  	_ =	swait.ge [sflag:s7], $0x4000  }
0x88: {  	[sflag:s7] =	ssyncset.done $0x0  }
0x89: {  	s1 =	rddreg [dreg:$0xe];
	[sflag:s7] =	ssyncadd.s32 $0xFFFFC000  }
0x8a: {  	[hbm4b:s1+s2] =	stream.linear.scatter [tilespmem:s11], [sflag:$0x3], $0x8000, $0x38;
	[tilespmem:$0x18C00] =	vst v63  }
0x8b: {  	_ =	swait.ge [sflag:s10], $0x8000  }
0x8c: {  	[sflag:s10] =	ssyncset.done $0x0  }
0x8d: {  	s1 =	simm.s32 $0x800;
	[sflag:s10] =	ssyncadd.s32 $0xFFFF8000  }
0x8e: {  	[tilespmem:s4], [sflag:$0x1] =	stream.indirect.gather [hbm4b:s3+s6], $0x80, s1, s6, $0xb8;
	[tilespmem:$0x18C00] =	vst v63  }
0x8f: {  	_ = 	snop  }
0x90: {  	[tilespmem:s12], [sflag:$0x1] =	stream.indirect.gather [hbm4b:s3+s6], $0x80, s24, s6, $0xb8;
	[tilespmem:$0x18C00] =	vst v63  }
0x91: {  	_ =	swait.ge [sflag:s8], $0x4000  }
0x92: {  	[sflag:s8] =	ssyncset.done $0x0  }
0x93: {  	[sflag:s8] =	ssyncadd.s32 $0xFFFFC000  }
0x94: {  	_ =	swait.ge [sflag:s8], $0x4000  }
0x95: {  	[sflag:s8] =	ssyncset.done $0x0  }
0x96: {  	s1 =	rddreg [dreg:$0xf];
	[sflag:s8] =	ssyncadd.s32 $0xFFFFC000  }
0x97: {  	[hbm4b:s1+s2] =	stream.linear.scatter [tilespmem:s5], [sflag:$0x4], $0x8000, $0x38;
	[tilespmem:$0x18C00] =	vst v63  }
0x98: {  	_ =	swait.ge [sflag:s17], $0x8000  }
0x99: {  	[sflag:s17] =	ssyncset.done $0x0  }
0x9a: {  	[sflag:s17] =	ssyncadd.s32 $0xFFFF8000  }
0x9b: {  	[tilespmem:s11], [sflag:$0x2] =	stream.indirect.gather [hbm4b:s3+s6], $0x80, s21, s6, $0xb8;
	[tilespmem:$0x18C00] =	vst v63  }
0x9c: {  	_ = 	snop  }
0x9d: {  	[tilespmem:s14], [sflag:$0x2] =	stream.indirect.gather [hbm4b:s3+s6], $0x80, s22, s6, $0xb8;
	[tilespmem:$0x18C00] =	vst v63  }
0x9e: {  	_ =	swait.ge [sflag:s7], $0x4000  }
0x9f: {  	[sflag:s7] =	ssyncset.done $0x0  }
0xa0: {  	[sflag:s7] =	ssyncadd.s32 $0xFFFFC000  }
0xa1: {  	_ =	swait.ge [sflag:s7], $0x4000  }
0xa2: {  	[sflag:s7] =	ssyncset.done $0x0  }
0xa3: {  	s1 =	rddreg [dreg:$0x10];
	[sflag:s7] =	ssyncadd.s32 $0xFFFFC000  }
0xa4: {  	[hbm4b:s1+s2] =	stream.linear.scatter [tilespmem:s4], [sflag:$0x5], $0x8000, $0x38;
	[tilespmem:$0x18C00] =	vst v63  }
0xa5: {  	_ =	swait.ge [sflag:s9], $0x8000  }
0xa6: {  	[sflag:s9] =	ssyncset.done $0x0  }
0xa7: {  	[sflag:s9] =	ssyncadd.s32 $0xFFFF8000  }
0xa8: {  	[tilespmem:s5], [sflag:$0x1] =	stream.indirect.gather [hbm4b:s3+s6], $0x80, s19, s6, $0xb8;
	[tilespmem:$0x18C00] =	vst v63  }
0xa9: {  	_ = 	snop  }
0xaa: {  	[tilespmem:s13], [sflag:$0x1] =	stream.indirect.gather [hbm4b:s3+s6], $0x80, s20, s6, $0xb8;
	[tilespmem:$0x18C00] =	vst v63  }
0xab: {  	_ =	swait.ge [sflag:s8], $0x4000  }
0xac: {  	[sflag:s8] =	ssyncset.done $0x0  }
0xad: {  	[sflag:s8] =	ssyncadd.s32 $0xFFFFC000  }
0xae: {  	_ =	swait.ge [sflag:s8], $0x4000  }
0xaf: {  	[sflag:s8] =	ssyncset.done $0x0  }
0xb0: {  	s1 =	rddreg [dreg:$0x11];
	[sflag:s8] =	ssyncadd.s32 $0xFFFFC000  }
0xb1: {  	[hbm4b:s1+s2] =	stream.linear.scatter [tilespmem:s11], [sflag:$0x3], $0x8000, $0x38;
	[tilespmem:$0x18C00] =	vst v63  }
0xb2: {  	_ =	swait.ge [sflag:s10], $0x8000  }
0xb3: {  	[sflag:s10] =	ssyncset.done $0x0  }
0xb4: {  	[sflag:s10] =	ssyncadd.s32 $0xFFFF8000  }
0xb5: {  	[tilespmem:s4], [sflag:$0x2] =	stream.indirect.gather [hbm4b:s3+s6], $0x80, s16, s6, $0xb8;
	[tilespmem:$0x18C00] =	vst v63  }
0xb6: {  	_ = 	snop  }
0xb7: {  	[tilespmem:s12], [sflag:$0x2] =	stream.indirect.gather [hbm4b:s3+s6], $0x80, s18, s6, $0xb8;
	[tilespmem:$0x18C00] =	vst v63  }
0xb8: {  	_ =	swait.ge [sflag:s7], $0x4000  }
0xb9: {  	[sflag:s7] =	ssyncset.done $0x0  }
0xba: {  	[sflag:s7] =	ssyncadd.s32 $0xFFFFC000  }
0xbb: {  	_ =	swait.ge [sflag:s7], $0x4000  }
0xbc: {  	[sflag:s7] =	ssyncset.done $0x0  }
0xbd: {  	s1 =	rddreg [dreg:$0x12];
	[sflag:s7] =	ssyncadd.s32 $0xFFFFC000  }
0xbe: {  	[hbm4b:s1+s2] =	stream.linear.scatter [tilespmem:s5], [sflag:$0x4], $0x8000, $0x38;
	[tilespmem:$0x18C00] =	vst v63  }
0xbf: {  	_ =	swait.ge [sflag:s8], $0x4000  }
0xc0: {  	[sflag:s8] =	ssyncset.done $0x0  }
0xc1: {  	[sflag:s8] =	ssyncadd.s32 $0xFFFFC000  }
0xc2: {  	_ =	swait.ge [sflag:s8], $0x4000  }
0xc3: {  	[sflag:s8] =	ssyncset.done $0x0  }
0xc4: {  	p1 =	sne.s32 s15, $0x1;
	s1 =	rddreg [dreg:$0x13];
	[sflag:s8] =	ssyncadd.s32 $0xFFFFC000  }
0xc5: {  	[hbm4b:s1+s2] =	stream.linear.scatter [tilespmem:s4], [sflag:$0x5], $0x8000, $0x38;
	[tilespmem:$0x18C00] =	vst v63  }
.Ltmp1:
0xc6: {  	_ =	swait.ge [sflag:s9], $0x8000;
	(pc) =	sbr.rel @!p1 .LBB2_3-.Ltmp1, $4  }
0xc7: {  	[sflag:s9] =	ssyncset.done $0x0  }
0xc8: {  	[sflag:s9] =	ssyncadd.s32 $0xFFFF8000  }
0xc9: {  	p0 =	por $0x1, $0x1;
	_ =	swait.ge [sflag:s10], $0x8000  }
0xca: {  	s1 =	sadd.s32 $0xFFFFFFFF, s15;
	s0 =	rddreg [dreg:$0x5];
	[sflag:s10] =	ssyncset.done $0x0  }
.LBB2_4:
0xcb: {  	[sflag:s10] =	ssyncadd.s32 $0xFFFF8000  }
0xcc: {  	[tilespmem:s2], [sflag:$0x6] =	stream.linear.gather [hbm4b:s0+s2], $0x200, $0x38;
	[tilespmem:$0x18C00] =	vst v63  }
0xcd: {  	_ =	swait.ge [sflag:s31], $0x200  }
0xce: {  	[sflag:s31] =	ssyncset.done $0x0  }
0xcf: {  	s15 =	rddreg [dreg:$0x6];
	[sflag:s31] =	ssyncadd.s32 $0xFFFFFE00  }
0xd0: {  	[tilespmem:s30], [sflag:$0x6] =	stream.linear.gather [hbm4b:s15+s2], $0x200, $0x38;
	[tilespmem:$0x18C00] =	vst v63  }
0xd1: {  	_ =	swait.ge [sflag:s31], $0x200  }
0xd2: {  	[sflag:s31] =	ssyncset.done $0x0  }
0xd3: {  	s15 =	rddreg [dreg:$0x7];
	[sflag:s31] =	ssyncadd.s32 $0xFFFFFE00  }
0xd4: {  	[tilespmem:s26], [sflag:$0x6] =	stream.linear.gather [hbm4b:s15+s2], $0x800, $0x38;
	[tilespmem:$0x18C00] =	vst v63  }
0xd5: {  	_ =	swait.ge [sflag:s31], $0x800  }
0xd6: {  	[sflag:s31] =	ssyncset.done $0x0  }
0xd7: {  	[sflag:s31] =	ssyncadd.s32 $0xFFFFF800  }
0xd8: {  	[tilespmem:s11], [sflag:$0x1] =	stream.indirect.gather [hbm4b:s3+s6], $0x80, s2, s6, $0xb8;
	[tilespmem:$0x18C00] =	vst v63  }
0xd9: {  	_ = 	snop  }
0xda: {  	[tilespmem:s14], [sflag:$0x1] =	stream.indirect.gather [hbm4b:s3+s6], $0x80, s6, s6, $0xb8;
	[tilespmem:$0x18C00] =	vst v63  }
0xdb: {  	s0 =	rddreg [dreg:$0x14]  }
0xdc: {  	[tilespmem:s5], [sflag:$0x2] =	stream.indirect.gather [hbm4b:s3+s6], $0x80, s0, s6, $0xb8;
	[tilespmem:$0x18C00] =	vst v63  }
0xdd: {  	s15 =	rddreg [dreg:$0x15]  }
0xde: {  	[tilespmem:s13], [sflag:$0x2] =	stream.indirect.gather [hbm4b:s3+s6], $0x80, s15, s6, $0xb8;
	[tilespmem:$0x18C00] =	vst v63  }
0xdf: {  	_ =	swait.ge [sflag:s7], $0x4000  }
0xe0: {  	[sflag:s7] =	ssyncset.done $0x0  }
0xe1: {  	[sflag:s7] =	ssyncadd.s32 $0xFFFFC000  }
0xe2: {  	_ =	swait.ge [sflag:s7], $0x4000  }
0xe3: {  	[sflag:s7] =	ssyncset.done $0x0  }
0xe4: {  	s15 =	rddreg [dreg:$0x8];
	[sflag:s7] =	ssyncadd.s32 $0xFFFFC000  }
0xe5: {  	[hbm4b:s15+s2] =	stream.linear.scatter [tilespmem:s11], [sflag:$0x3], $0x8000, $0x38;
	[tilespmem:$0x18C00] =	vst v63  }
0xe6: {  	_ = 	snop  }
0xe7: {  	[tilespmem:s4], [sflag:$0x1] =	stream.indirect.gather [hbm4b:s3+s6], $0x80, s30, s6, $0xb8;
	[tilespmem:$0x18C00] =	vst v63  }
0xe8: {  	s15 =	rddreg [dreg:$0x16]  }
0xe9: {  	[tilespmem:s12], [sflag:$0x1] =	stream.indirect.gather [hbm4b:s3+s6], $0x80, s15, s6, $0xb8;
	[tilespmem:$0x18C00] =	vst v63  }
0xea: {  	_ =	swait.ge [sflag:s8], $0x4000  }
0xeb: {  	[sflag:s8] =	ssyncset.done $0x0  }
0xec: {  	[sflag:s8] =	ssyncadd.s32 $0xFFFFC000  }
0xed: {  	_ =	swait.ge [sflag:s8], $0x4000  }
0xee: {  	[sflag:s8] =	ssyncset.done $0x0  }
0xef: {  	s15 =	rddreg [dreg:$0x9];
	[sflag:s8] =	ssyncadd.s32 $0xFFFFC000  }
0xf0: {  	[hbm4b:s15+s2] =	stream.linear.scatter [tilespmem:s5], [sflag:$0x4], $0x8000, $0x38;
	[tilespmem:$0x18C00] =	vst v63  }
0xf1: {  	_ =	swait.ge [sflag:s17], $0x8000  }
0xf2: {  	[sflag:s17] =	ssyncset.done $0x0  }
0xf3: {  	s0 =	rddreg [dreg:$0x17];
	[sflag:s17] =	ssyncadd.s32 $0xFFFF8000  }
0xf4: {  	[tilespmem:s11], [sflag:$0x2] =	stream.indirect.gather [hbm4b:s3+s6], $0x80, s0, s6, $0xb8;
	[tilespmem:$0x18C00] =	vst v63  }
0xf5: {  	s15 =	rddreg [dreg:$0x18]  }
0xf6: {  	[tilespmem:s14], [sflag:$0x2] =	stream.indirect.gather [hbm4b:s3+s6], $0x80, s15, s6, $0xb8;
	[tilespmem:$0x18C00] =	vst v63  }
0xf7: {  	_ =	swait.ge [sflag:s7], $0x4000  }
0xf8: {  	[sflag:s7] =	ssyncset.done $0x0  }
0xf9: {  	[sflag:s7] =	ssyncadd.s32 $0xFFFFC000  }
0xfa: {  	_ =	swait.ge [sflag:s7], $0x4000  }
0xfb: {  	[sflag:s7] =	ssyncset.done $0x0  }
0xfc: {  	s15 =	rddreg [dreg:$0xa];
	[sflag:s7] =	ssyncadd.s32 $0xFFFFC000  }
0xfd: {  	[hbm4b:s15+s2] =	stream.linear.scatter [tilespmem:s4], [sflag:$0x5], $0x8000, $0x38;
	[tilespmem:$0x18C00] =	vst v63  }
0xfe: {  	_ =	swait.ge [sflag:s9], $0x8000  }
0xff: {  	[sflag:s9] =	ssyncset.done $0x0  }
0x100: {  	[sflag:s9] =	ssyncadd.s32 $0xFFFF8000  }
0x101: {  	[tilespmem:s5], [sflag:$0x1] =	stream.indirect.gather [hbm4b:s3+s6], $0x80, s26, s6, $0xb8;
	[tilespmem:$0x18C00] =	vst v63  }
0x102: {  	s15 =	rddreg [dreg:$0x19]  }
0x103: {  	[tilespmem:s13], [sflag:$0x1] =	stream.indirect.gather [hbm4b:s3+s6], $0x80, s15, s6, $0xb8;
	[tilespmem:$0x18C00] =	vst v63  }
0x104: {  	_ =	swait.ge [sflag:s8], $0x4000  }
0x105: {  	[sflag:s8] =	ssyncset.done $0x0  }
0x106: {  	[sflag:s8] =	ssyncadd.s32 $0xFFFFC000  }
0x107: {  	_ =	swait.ge [sflag:s8], $0x4000  }
0x108: {  	[sflag:s8] =	ssyncset.done $0x0  }
0x109: {  	s15 =	rddreg [dreg:$0xb];
	[sflag:s8] =	ssyncadd.s32 $0xFFFFC000  }
0x10a: {  	[hbm4b:s15+s2] =	stream.linear.scatter [tilespmem:s11], [sflag:$0x3], $0x8000, $0x38;
	[tilespmem:$0x18C00] =	vst v63  }
0x10b: {  	_ =	swait.ge [sflag:s10], $0x8000  }
0x10c: {  	[sflag:s10] =	ssyncset.done $0x0  }
0x10d: {  	s0 =	rddreg [dreg:$0x1a];
	[sflag:s10] =	ssyncadd.s32 $0xFFFF8000  }
0x10e: {  	[tilespmem:s4], [sflag:$0x2] =	stream.indirect.gather [hbm4b:s3+s6], $0x80, s0, s6, $0xb8;
	[tilespmem:$0x18C00] =	vst v63  }
0x10f: {  	s15 =	rddreg [dreg:$0x1b]  }
0x110: {  	[tilespmem:s12], [sflag:$0x2] =	stream.indirect.gather [hbm4b:s3+s6], $0x80, s15, s6, $0xb8;
	[tilespmem:$0x18C00] =	vst v63  }
0x111: {  	_ =	swait.ge [sflag:s7], $0x4000  }
0x112: {  	[sflag:s7] =	ssyncset.done $0x0  }
0x113: {  	[sflag:s7] =	ssyncadd.s32 $0xFFFFC000  }
0x114: {  	_ =	swait.ge [sflag:s7], $0x4000  }
0x115: {  	[sflag:s7] =	ssyncset.done $0x0  }
0x116: {  	s15 =	rddreg [dreg:$0xc];
	[sflag:s7] =	ssyncadd.s32 $0xFFFFC000  }
0x117: {  	[hbm4b:s15+s2] =	stream.linear.scatter [tilespmem:s5], [sflag:$0x4], $0x8000, $0x38;
	[tilespmem:$0x18C00] =	vst v63  }
0x118: {  	_ =	swait.ge [sflag:s17], $0x8000  }
0x119: {  	[sflag:s17] =	ssyncset.done $0x0  }
0x11a: {  	[sflag:s17] =	ssyncadd.s32 $0xFFFF8000  }
0x11b: {  	[tilespmem:s11], [sflag:$0x1] =	stream.indirect.gather [hbm4b:s3+s6], $0x80, s29, s6, $0xb8;
	[tilespmem:$0x18C00] =	vst v63  }
0x11c: {  	_ = 	snop  }
0x11d: {  	[tilespmem:s14], [sflag:$0x1] =	stream.indirect.gather [hbm4b:s3+s6], $0x80, s23, s6, $0xb8;
	[tilespmem:$0x18C00] =	vst v63  }
0x11e: {  	_ =	swait.ge [sflag:s8], $0x4000  }
0x11f: {  	[sflag:s8] =	ssyncset.done $0x0  }
0x120: {  	[sflag:s8] =	ssyncadd.s32 $0xFFFFC000  }
0x121: {  	_ =	swait.ge [sflag:s8], $0x4000  }
0x122: {  	[sflag:s8] =	ssyncset.done $0x0  }
0x123: {  	s15 =	rddreg [dreg:$0xd];
	[sflag:s8] =	ssyncadd.s32 $0xFFFFC000  }
0x124: {  	[hbm4b:s15+s2] =	stream.linear.scatter [tilespmem:s4], [sflag:$0x5], $0x8000, $0x38;
	[tilespmem:$0x18C00] =	vst v63  }
0x125: {  	_ =	swait.ge [sflag:s9], $0x8000  }
0x126: {  	[sflag:s9] =	ssyncset.done $0x0  }
0x127: {  	[sflag:s9] =	ssyncadd.s32 $0xFFFF8000  }
0x128: {  	[tilespmem:s5], [sflag:$0x2] =	stream.indirect.gather [hbm4b:s3+s6], $0x80, s25, s6, $0xb8;
	[tilespmem:$0x18C00] =	vst v63  }
0x129: {  	_ = 	snop  }
0x12a: {  	[tilespmem:s13], [sflag:$0x2] =	stream.indirect.gather [hbm4b:s3+s6], $0x80, s28, s6, $0xb8;
	[tilespmem:$0x18C00] =	vst v63  }
0x12b: {  	_ =	swait.ge [sflag:s7], $0x4000  }
0x12c: {  	[sflag:s7] =	ssyncset.done $0x0  }
0x12d: {  	[sflag:s7] =	ssyncadd.s32 $0xFFFFC000  }
0x12e: {  	_ =	swait.ge [sflag:s7], $0x4000  }
0x12f: {  	[sflag:s7] =	ssyncset.done $0x0  }
0x130: {  	s15 =	rddreg [dreg:$0xe];
	[sflag:s7] =	ssyncadd.s32 $0xFFFFC000  }
0x131: {  	[hbm4b:s15+s2] =	stream.linear.scatter [tilespmem:s11], [sflag:$0x3], $0x8000, $0x38;
	[tilespmem:$0x18C00] =	vst v63  }
0x132: {  	_ =	swait.ge [sflag:s10], $0x8000  }
0x133: {  	[sflag:s10] =	ssyncset.done $0x0  }
0x134: {  	s15 =	simm.s32 $0x800;
	[sflag:s10] =	ssyncadd.s32 $0xFFFF8000  }
0x135: {  	[tilespmem:s4], [sflag:$0x1] =	stream.indirect.gather [hbm4b:s3+s6], $0x80, s15, s6, $0xb8;
	[tilespmem:$0x18C00] =	vst v63  }
0x136: {  	_ = 	snop  }
0x137: {  	[tilespmem:s12], [sflag:$0x1] =	stream.indirect.gather [hbm4b:s3+s6], $0x80, s24, s6, $0xb8;
	[tilespmem:$0x18C00] =	vst v63  }
0x138: {  	_ =	swait.ge [sflag:s8], $0x4000  }
0x139: {  	[sflag:s8] =	ssyncset.done $0x0  }
0x13a: {  	[sflag:s8] =	ssyncadd.s32 $0xFFFFC000  }
0x13b: {  	_ =	swait.ge [sflag:s8], $0x4000  }
0x13c: {  	[sflag:s8] =	ssyncset.done $0x0  }
0x13d: {  	s15 =	rddreg [dreg:$0xf];
	[sflag:s8] =	ssyncadd.s32 $0xFFFFC000  }
0x13e: {  	[hbm4b:s15+s2] =	stream.linear.scatter [tilespmem:s5], [sflag:$0x4], $0x8000, $0x38;
	[tilespmem:$0x18C00] =	vst v63  }
0x13f: {  	_ =	swait.ge [sflag:s17], $0x8000  }
0x140: {  	[sflag:s17] =	ssyncset.done $0x0  }
0x141: {  	[sflag:s17] =	ssyncadd.s32 $0xFFFF8000  }
0x142: {  	[tilespmem:s11], [sflag:$0x2] =	stream.indirect.gather [hbm4b:s3+s6], $0x80, s21, s6, $0xb8;
	[tilespmem:$0x18C00] =	vst v63  }
0x143: {  	_ = 	snop  }
0x144: {  	[tilespmem:s14], [sflag:$0x2] =	stream.indirect.gather [hbm4b:s3+s6], $0x80, s22, s6, $0xb8;
	[tilespmem:$0x18C00] =	vst v63  }
0x145: {  	_ =	swait.ge [sflag:s7], $0x4000  }
0x146: {  	[sflag:s7] =	ssyncset.done $0x0  }
0x147: {  	[sflag:s7] =	ssyncadd.s32 $0xFFFFC000  }
0x148: {  	_ =	swait.ge [sflag:s7], $0x4000  }
0x149: {  	[sflag:s7] =	ssyncset.done $0x0  }
0x14a: {  	s15 =	rddreg [dreg:$0x10];
	[sflag:s7] =	ssyncadd.s32 $0xFFFFC000  }
0x14b: {  	[hbm4b:s15+s2] =	stream.linear.scatter [tilespmem:s4], [sflag:$0x5], $0x8000, $0x38;
	[tilespmem:$0x18C00] =	vst v63  }
0x14c: {  	_ =	swait.ge [sflag:s9], $0x8000  }
0x14d: {  	[sflag:s9] =	ssyncset.done $0x0  }
0x14e: {  	[sflag:s9] =	ssyncadd.s32 $0xFFFF8000  }
0x14f: {  	[tilespmem:s5], [sflag:$0x1] =	stream.indirect.gather [hbm4b:s3+s6], $0x80, s19, s6, $0xb8;
	[tilespmem:$0x18C00] =	vst v63  }
0x150: {  	_ = 	snop  }
0x151: {  	[tilespmem:s13], [sflag:$0x1] =	stream.indirect.gather [hbm4b:s3+s6], $0x80, s20, s6, $0xb8;
	[tilespmem:$0x18C00] =	vst v63  }
0x152: {  	_ =	swait.ge [sflag:s8], $0x4000  }
0x153: {  	[sflag:s8] =	ssyncset.done $0x0  }
0x154: {  	[sflag:s8] =	ssyncadd.s32 $0xFFFFC000  }
0x155: {  	_ =	swait.ge [sflag:s8], $0x4000  }
0x156: {  	[sflag:s8] =	ssyncset.done $0x0  }
0x157: {  	s15 =	rddreg [dreg:$0x11];
	[sflag:s8] =	ssyncadd.s32 $0xFFFFC000  }
0x158: {  	[hbm4b:s15+s2] =	stream.linear.scatter [tilespmem:s11], [sflag:$0x3], $0x8000, $0x38;
	[tilespmem:$0x18C00] =	vst v63  }
0x159: {  	_ =	swait.ge [sflag:s10], $0x8000  }
0x15a: {  	[sflag:s10] =	ssyncset.done $0x0  }
0x15b: {  	[sflag:s10] =	ssyncadd.s32 $0xFFFF8000  }
0x15c: {  	[tilespmem:s4], [sflag:$0x2] =	stream.indirect.gather [hbm4b:s3+s6], $0x80, s16, s6, $0xb8;
	[tilespmem:$0x18C00] =	vst v63  }
0x15d: {  	_ = 	snop  }
0x15e: {  	[tilespmem:s12], [sflag:$0x2] =	stream.indirect.gather [hbm4b:s3+s6], $0x80, s18, s6, $0xb8;
	[tilespmem:$0x18C00] =	vst v63  }
0x15f: {  	_ =	swait.ge [sflag:s7], $0x4000  }
0x160: {  	[sflag:s7] =	ssyncset.done $0x0  }
0x161: {  	[sflag:s7] =	ssyncadd.s32 $0xFFFFC000  }
0x162: {  	_ =	swait.ge [sflag:s7], $0x4000  }
0x163: {  	[sflag:s7] =	ssyncset.done $0x0  }
0x164: {  	s15 =	rddreg [dreg:$0x12];
	[sflag:s7] =	ssyncadd.s32 $0xFFFFC000  }
0x165: {  	[hbm4b:s15+s2] =	stream.linear.scatter [tilespmem:s5], [sflag:$0x4], $0x8000, $0x38;
	[tilespmem:$0x18C00] =	vst v63  }
0x166: {  	_ =	swait.ge [sflag:s8], $0x4000  }
0x167: {  	[sflag:s8] =	ssyncset.done $0x0  }
0x168: {  	[sflag:s8] =	ssyncadd.s32 $0xFFFFC000  }
0x169: {  	_ =	swait.ge [sflag:s8], $0x4000  }
0x16a: {  	[sflag:s8] =	ssyncset.done $0x0  }
0x16b: {  	p1 =	sne.s32 s1, $0x1;
	s15 =	rddreg [dreg:$0x13];
	[sflag:s8] =	ssyncadd.s32 $0xFFFFC000  }
0x16c: {  	[hbm4b:s15+s2] =	stream.linear.scatter [tilespmem:s4], [sflag:$0x5], $0x8000, $0x38;
	[tilespmem:$0x18C00] =	vst v63  }
.Ltmp2:
0x16d: {  	_ =	swait.ge [sflag:s9], $0x8000;
	(pc) =	sbr.rel @p1 .LBB2_4-.Ltmp2, $4  }
0x16e: {  	[sflag:s9] =	ssyncset.done $0x0  }
0x16f: {  	[sflag:s9] =	ssyncadd.s32 $0xFFFF8000  }
0x170: {  	_ =	swait.ge [sflag:s10], $0x8000  }
0x171: {  	s1 =	sadd.s32 $0xFFFFFFFF, s1;
	s0 =	rddreg [dreg:$0x5];
	[sflag:s10] =	ssyncset.done $0x0  }
0x172: {  	s18 =	simm.s32 $0x680;
	s29 =	simm.s32 $0x600;
	s28 =	simm.s32 $0x780  }
0x173: {  	s25 =	simm.s32 $0x700;
	s24 =	simm.s32 $0x880;
	s23 =	simm.s32 $0x800  }
0x174: {  	s22 =	simm.s32 $0x980;
	s21 =	simm.s32 $0x900;
	s20 =	simm.s32 $0xA80  }
0x175: {  	s19 =	simm.s32 $0xA00;
	s16 =	simm.s32 $0xB00;
	s15 =	stileid.u32  }
.LBB2_6:
0x176: {  	[sflag:s10] =	ssyncadd.s32 @p0 $0xFFFF8000  }
0x177: {  	[tilespmem:s2], [sflag:$0x6] =	stream.linear.gather [hbm4b:s0+s2], $0x200, $0x38;
	[tilespmem:$0x18C00] =	vst v63  }
0x178: {  	_ =	swait.ge [sflag:s31], $0x200  }
0x179: {  	[sflag:s31] =	ssyncset.done $0x0  }
0x17a: {  	s1 =	rddreg [dreg:$0x6];
	[sflag:s31] =	ssyncadd.s32 $0xFFFFFE00  }
0x17b: {  	[tilespmem:s30], [sflag:$0x6] =	stream.linear.gather [hbm4b:s1+s2], $0x200, $0x38;
	[tilespmem:$0x18C00] =	vst v63  }
0x17c: {  	_ =	swait.ge [sflag:s31], $0x200  }
0x17d: {  	[sflag:s31] =	ssyncset.done $0x0  }
0x17e: {  	s1 =	rddreg [dreg:$0x7];
	[sflag:s31] =	ssyncadd.s32 $0xFFFFFE00  }
0x17f: {  	[tilespmem:s26], [sflag:$0x6] =	stream.linear.gather [hbm4b:s1+s2], $0x800, $0x38;
	[tilespmem:$0x18C00] =	vst v63  }
0x180: {  	_ =	swait.ge [sflag:s31], $0x800  }
0x181: {  	[sflag:s31] =	ssyncset.done $0x0  }
0x182: {  	[sflag:s31] =	ssyncadd.s32 $0xFFFFF800  }
0x183: {  	[tilespmem:s11], [sflag:$0x1] =	stream.indirect.gather [hbm4b:s3+s6], $0x80, s2, s6, $0xb8;
	[tilespmem:$0x18C00] =	vst v63  }
0x184: {  	_ = 	snop  }
0x185: {  	[tilespmem:s14], [sflag:$0x1] =	stream.indirect.gather [hbm4b:s3+s6], $0x80, s6, s6, $0xb8;
	[tilespmem:$0x18C00] =	vst v63  }
0x186: {  	s31 =	rddreg [dreg:$0x14]  }
0x187: {  	[tilespmem:s5], [sflag:$0x2] =	stream.indirect.gather [hbm4b:s3+s6], $0x80, s31, s6, $0xb8;
	[tilespmem:$0x18C00] =	vst v63  }
0x188: {  	s1 =	rddreg [dreg:$0x15]  }
0x189: {  	[tilespmem:s13], [sflag:$0x2] =	stream.indirect.gather [hbm4b:s3+s6], $0x80, s1, s6, $0xb8;
	[tilespmem:$0x18C00] =	vst v63  }
0x18a: {  	_ =	swait.ge [sflag:s7], $0x4000  }
0x18b: {  	[sflag:s7] =	ssyncset.done $0x0  }
0x18c: {  	[sflag:s7] =	ssyncadd.s32 $0xFFFFC000  }
0x18d: {  	_ =	swait.ge [sflag:s7], $0x4000  }
0x18e: {  	[sflag:s7] =	ssyncset.done $0x0  }
0x18f: {  	s1 =	rddreg [dreg:$0x8];
	[sflag:s7] =	ssyncadd.s32 $0xFFFFC000  }
0x190: {  	[hbm4b:s1+s2] =	stream.linear.scatter [tilespmem:s11], [sflag:$0x3], $0x8000, $0x38;
	[tilespmem:$0x18C00] =	vst v63  }
0x191: {  	_ = 	snop  }
0x192: {  	[tilespmem:s4], [sflag:$0x1] =	stream.indirect.gather [hbm4b:s3+s6], $0x80, s30, s6, $0xb8;
	[tilespmem:$0x18C00] =	vst v63  }
0x193: {  	s31 =	rddreg [dreg:$0x16]  }
0x194: {  	[tilespmem:s12], [sflag:$0x1] =	stream.indirect.gather [hbm4b:s3+s6], $0x80, s31, s6, $0xb8;
	[tilespmem:$0x18C00] =	vst v63  }
0x195: {  	_ =	swait.ge [sflag:s8], $0x4000  }
0x196: {  	[sflag:s8] =	ssyncset.done $0x0  }
0x197: {  	[sflag:s8] =	ssyncadd.s32 $0xFFFFC000  }
0x198: {  	_ =	swait.ge [sflag:s8], $0x4000  }
0x199: {  	[sflag:s8] =	ssyncset.done $0x0  }
0x19a: {  	s1 =	rddreg [dreg:$0x9];
	[sflag:s8] =	ssyncadd.s32 $0xFFFFC000  }
0x19b: {  	[hbm4b:s1+s2] =	stream.linear.scatter [tilespmem:s5], [sflag:$0x4], $0x8000, $0x38;
	[tilespmem:$0x18C00] =	vst v63  }
0x19c: {  	_ =	swait.ge [sflag:s17], $0x8000  }
0x19d: {  	[sflag:s17] =	ssyncset.done $0x0  }
0x19e: {  	s30 =	rddreg [dreg:$0x17];
	[sflag:s17] =	ssyncadd.s32 $0xFFFF8000  }
0x19f: {  	[tilespmem:s11], [sflag:$0x2] =	stream.indirect.gather [hbm4b:s3+s6], $0x80, s30, s6, $0xb8;
	[tilespmem:$0x18C00] =	vst v63  }
0x1a0: {  	s31 =	rddreg [dreg:$0x18]  }
0x1a1: {  	[tilespmem:s14], [sflag:$0x2] =	stream.indirect.gather [hbm4b:s3+s6], $0x80, s31, s6, $0xb8;
	[tilespmem:$0x18C00] =	vst v63  }
0x1a2: {  	_ =	swait.ge [sflag:s7], $0x4000  }
0x1a3: {  	[sflag:s7] =	ssyncset.done $0x0  }
0x1a4: {  	[sflag:s7] =	ssyncadd.s32 $0xFFFFC000  }
0x1a5: {  	_ =	swait.ge [sflag:s7], $0x4000  }
0x1a6: {  	[sflag:s7] =	ssyncset.done $0x0  }
0x1a7: {  	s30 =	rddreg [dreg:$0xa];
	[sflag:s7] =	ssyncadd.s32 $0xFFFFC000  }
0x1a8: {  	[hbm4b:s30+s2] =	stream.linear.scatter [tilespmem:s4], [sflag:$0x5], $0x8000, $0x38;
	[tilespmem:$0x18C00] =	vst v63  }
0x1a9: {  	_ =	swait.ge [sflag:s9], $0x8000  }
0x1aa: {  	[sflag:s9] =	ssyncset.done $0x0  }
0x1ab: {  	[sflag:s9] =	ssyncadd.s32 $0xFFFF8000  }
0x1ac: {  	[tilespmem:s5], [sflag:$0x1] =	stream.indirect.gather [hbm4b:s3+s6], $0x80, s26, s6, $0xb8;
	[tilespmem:$0x18C00] =	vst v63  }
0x1ad: {  	s31 =	rddreg [dreg:$0x19]  }
0x1ae: {  	[tilespmem:s13], [sflag:$0x1] =	stream.indirect.gather [hbm4b:s3+s6], $0x80, s31, s6, $0xb8;
	[tilespmem:$0x18C00] =	vst v63  }
0x1af: {  	_ =	swait.ge [sflag:s8], $0x4000  }
0x1b0: {  	[sflag:s8] =	ssyncset.done $0x0  }
0x1b1: {  	[sflag:s8] =	ssyncadd.s32 $0xFFFFC000  }
0x1b2: {  	_ =	swait.ge [sflag:s8], $0x4000  }
0x1b3: {  	[sflag:s8] =	ssyncset.done $0x0  }
0x1b4: {  	s1 =	rddreg [dreg:$0xb];
	[sflag:s8] =	ssyncadd.s32 $0xFFFFC000  }
0x1b5: {  	[hbm4b:s1+s2] =	stream.linear.scatter [tilespmem:s11], [sflag:$0x3], $0x8000, $0x38;
	[tilespmem:$0x18C00] =	vst v63  }
0x1b6: {  	_ =	swait.ge [sflag:s10], $0x8000  }
0x1b7: {  	[sflag:s10] =	ssyncset.done $0x0  }
0x1b8: {  	s26 =	rddreg [dreg:$0x1a];
	[sflag:s10] =	ssyncadd.s32 $0xFFFF8000  }
0x1b9: {  	[tilespmem:s4], [sflag:$0x2] =	stream.indirect.gather [hbm4b:s3+s6], $0x80, s26, s6, $0xb8;
	[tilespmem:$0x18C00] =	vst v63  }
0x1ba: {  	s30 =	rddreg [dreg:$0x1b]  }
0x1bb: {  	[tilespmem:s12], [sflag:$0x2] =	stream.indirect.gather [hbm4b:s3+s6], $0x80, s30, s6, $0xb8;
	[tilespmem:$0x18C00] =	vst v63  }
0x1bc: {  	_ =	swait.ge [sflag:s7], $0x4000  }
0x1bd: {  	[sflag:s7] =	ssyncset.done $0x0  }
0x1be: {  	[sflag:s7] =	ssyncadd.s32 $0xFFFFC000  }
0x1bf: {  	_ =	swait.ge [sflag:s7], $0x4000  }
0x1c0: {  	[sflag:s7] =	ssyncset.done $0x0  }
0x1c1: {  	s31 =	rddreg [dreg:$0xc];
	[sflag:s7] =	ssyncadd.s32 $0xFFFFC000  }
0x1c2: {  	[hbm4b:s31+s2] =	stream.linear.scatter [tilespmem:s5], [sflag:$0x4], $0x8000, $0x38;
	[tilespmem:$0x18C00] =	vst v63  }
0x1c3: {  	_ =	swait.ge [sflag:s17], $0x8000  }
0x1c4: {  	[sflag:s17] =	ssyncset.done $0x0  }
0x1c5: {  	[sflag:s17] =	ssyncadd.s32 $0xFFFF8000  }
0x1c6: {  	[tilespmem:s11], [sflag:$0x1] =	stream.indirect.gather [hbm4b:s3+s6], $0x80, s29, s6, $0xb8;
	[tilespmem:$0x18C00] =	vst v63  }
0x1c7: {  	_ = 	snop  }
0x1c8: {  	[tilespmem:s14], [sflag:$0x1] =	stream.indirect.gather [hbm4b:s3+s6], $0x80, s18, s6, $0xb8;
	[tilespmem:$0x18C00] =	vst v63  }
0x1c9: {  	_ =	swait.ge [sflag:s8], $0x4000  }
0x1ca: {  	[sflag:s8] =	ssyncset.done $0x0  }
0x1cb: {  	[sflag:s8] =	ssyncadd.s32 $0xFFFFC000  }
0x1cc: {  	_ =	swait.ge [sflag:s8], $0x4000  }
0x1cd: {  	[sflag:s8] =	ssyncset.done $0x0  }
0x1ce: {  	s1 =	rddreg [dreg:$0xd];
	[sflag:s8] =	ssyncadd.s32 $0xFFFFC000  }
0x1cf: {  	[hbm4b:s1+s2] =	stream.linear.scatter [tilespmem:s4], [sflag:$0x5], $0x8000, $0x38;
	[tilespmem:$0x18C00] =	vst v63  }
0x1d0: {  	_ =	swait.ge [sflag:s9], $0x8000  }
0x1d1: {  	[sflag:s9] =	ssyncset.done $0x0  }
0x1d2: {  	[sflag:s9] =	ssyncadd.s32 $0xFFFF8000  }
0x1d3: {  	[tilespmem:s5], [sflag:$0x2] =	stream.indirect.gather [hbm4b:s3+s6], $0x80, s25, s6, $0xb8;
	[tilespmem:$0x18C00] =	vst v63  }
0x1d4: {  	_ = 	snop  }
0x1d5: {  	[tilespmem:s13], [sflag:$0x2] =	stream.indirect.gather [hbm4b:s3+s6], $0x80, s28, s6, $0xb8;
	[tilespmem:$0x18C00] =	vst v63  }
0x1d6: {  	_ =	swait.ge [sflag:s7], $0x4000  }
0x1d7: {  	[sflag:s7] =	ssyncset.done $0x0  }
0x1d8: {  	[sflag:s7] =	ssyncadd.s32 $0xFFFFC000  }
0x1d9: {  	_ =	swait.ge [sflag:s7], $0x4000  }
0x1da: {  	[sflag:s7] =	ssyncset.done $0x0  }
0x1db: {  	s18 =	rddreg [dreg:$0xe];
	[sflag:s7] =	ssyncadd.s32 $0xFFFFC000  }
0x1dc: {  	[hbm4b:s18+s2] =	stream.linear.scatter [tilespmem:s11], [sflag:$0x3], $0x8000, $0x38;
	[tilespmem:$0x18C00] =	vst v63  }
0x1dd: {  	_ =	swait.ge [sflag:s10], $0x8000  }
0x1de: {  	[sflag:s10] =	ssyncset.done $0x0  }
0x1df: {  	[sflag:s10] =	ssyncadd.s32 $0xFFFF8000  }
0x1e0: {  	[tilespmem:s4], [sflag:$0x1] =	stream.indirect.gather [hbm4b:s3+s6], $0x80, s23, s6, $0xb8;
	[tilespmem:$0x18C00] =	vst v63  }
0x1e1: {  	_ = 	snop  }
0x1e2: {  	[tilespmem:s12], [sflag:$0x1] =	stream.indirect.gather [hbm4b:s3+s6], $0x80, s24, s6, $0xb8;
	[tilespmem:$0x18C00] =	vst v63  }
0x1e3: {  	_ =	swait.ge [sflag:s8], $0x4000  }
0x1e4: {  	[sflag:s8] =	ssyncset.done $0x0  }
0x1e5: {  	[sflag:s8] =	ssyncadd.s32 $0xFFFFC000  }
0x1e6: {  	_ =	swait.ge [sflag:s8], $0x4000  }
0x1e7: {  	[sflag:s8] =	ssyncset.done $0x0  }
0x1e8: {  	s25 =	rddreg [dreg:$0xf];
	[sflag:s8] =	ssyncadd.s32 $0xFFFFC000  }
0x1e9: {  	[hbm4b:s25+s2] =	stream.linear.scatter [tilespmem:s5], [sflag:$0x4], $0x8000, $0x38;
	[tilespmem:$0x18C00] =	vst v63  }
0x1ea: {  	_ =	swait.ge [sflag:s17], $0x8000  }
0x1eb: {  	[sflag:s17] =	ssyncset.done $0x0  }
0x1ec: {  	[sflag:s17] =	ssyncadd.s32 $0xFFFF8000  }
0x1ed: {  	[tilespmem:s11], [sflag:$0x2] =	stream.indirect.gather [hbm4b:s3+s6], $0x80, s21, s6, $0xb8;
	[tilespmem:$0x18C00] =	vst v63  }
0x1ee: {  	_ = 	snop  }
0x1ef: {  	[tilespmem:s14], [sflag:$0x2] =	stream.indirect.gather [hbm4b:s3+s6], $0x80, s22, s6, $0xb8;
	[tilespmem:$0x18C00] =	vst v63  }
0x1f0: {  	_ =	swait.ge [sflag:s7], $0x4000  }
0x1f1: {  	[sflag:s7] =	ssyncset.done $0x0  }
0x1f2: {  	[sflag:s7] =	ssyncadd.s32 $0xFFFFC000  }
0x1f3: {  	_ =	swait.ge [sflag:s7], $0x4000  }
0x1f4: {  	[sflag:s7] =	ssyncset.done $0x0  }
0x1f5: {  	s26 =	rddreg [dreg:$0x10];
	[sflag:s7] =	ssyncadd.s32 $0xFFFFC000  }
0x1f6: {  	[hbm4b:s26+s2] =	stream.linear.scatter [tilespmem:s4], [sflag:$0x5], $0x8000, $0x38;
	[tilespmem:$0x18C00] =	vst v63  }
0x1f7: {  	_ =	swait.ge [sflag:s9], $0x8000  }
0x1f8: {  	[sflag:s9] =	ssyncset.done $0x0  }
0x1f9: {  	[sflag:s9] =	ssyncadd.s32 $0xFFFF8000  }
0x1fa: {  	[tilespmem:s5], [sflag:$0x1] =	stream.indirect.gather [hbm4b:s3+s6], $0x80, s19, s6, $0xb8;
	[tilespmem:$0x18C00] =	vst v63  }
0x1fb: {  	_ = 	snop  }
0x1fc: {  	[tilespmem:s13], [sflag:$0x1] =	stream.indirect.gather [hbm4b:s3+s6], $0x80, s20, s6, $0xb8;
	[tilespmem:$0x18C00] =	vst v63  }
0x1fd: {  	_ =	swait.ge [sflag:s8], $0x4000  }
0x1fe: {  	[sflag:s8] =	ssyncset.done $0x0  }
0x1ff: {  	[sflag:s8] =	ssyncadd.s32 $0xFFFFC000  }
0x200: {  	_ =	swait.ge [sflag:s8], $0x4000  }
0x201: {  	[sflag:s8] =	ssyncset.done $0x0  }
0x202: {  	s28 =	rddreg [dreg:$0x11];
	[sflag:s8] =	ssyncadd.s32 $0xFFFFC000  }
0x203: {  	[hbm4b:s28+s2] =	stream.linear.scatter [tilespmem:s11], [sflag:$0x3], $0x8000, $0x38;
	[tilespmem:$0x18C00] =	vst v63  }
0x204: {  	_ =	swait.ge [sflag:s10], $0x8000  }
0x205: {  	[sflag:s10] =	ssyncset.done $0x0  }
0x206: {  	[sflag:s10] =	ssyncadd.s32 $0xFFFF8000  }
0x207: {  	[tilespmem:s4], [sflag:$0x2] =	stream.indirect.gather [hbm4b:s3+s6], $0x80, s16, s6, $0xb8;
	[tilespmem:$0x18C00] =	vst v63  }
0x208: {  	s29 =	simm.s32 $0xB80  }
0x209: {  	[tilespmem:s12], [sflag:$0x2] =	stream.indirect.gather [hbm4b:s3+s6], $0x80, s29, s6, $0xb8;
	[tilespmem:$0x18C00] =	vst v63  }
0x20a: {  	_ =	swait.ge [sflag:s7], $0x4000  }
0x20b: {  	[sflag:s7] =	ssyncset.done $0x0  }
0x20c: {  	[sflag:s7] =	ssyncadd.s32 $0xFFFFC000  }
0x20d: {  	_ =	swait.ge [sflag:s7], $0x4000  }
0x20e: {  	[sflag:s7] =	ssyncset.done $0x0  }
0x20f: {  	s30 =	rddreg [dreg:$0x12];
	[sflag:s7] =	ssyncadd.s32 $0xFFFFC000  }
0x210: {  	[hbm4b:s30+s2] =	stream.linear.scatter [tilespmem:s5], [sflag:$0x4], $0x8000, $0x38;
	[tilespmem:$0x18C00] =	vst v63  }
0x211: {  	_ =	swait.ge [sflag:s8], $0x4000  }
0x212: {  	[sflag:s8] =	ssyncset.done $0x0  }
0x213: {  	[sflag:s8] =	ssyncadd.s32 $0xFFFFC000  }
0x214: {  	_ =	swait.ge [sflag:s8], $0x4000  }
0x215: {  	[sflag:s8] =	ssyncset.done $0x0  }
0x216: {  	s31 =	rddreg [dreg:$0x13];
	[sflag:s8] =	ssyncadd.s32 $0xFFFFC000  }
0x217: {  	[hbm4b:s31+s2] =	stream.linear.scatter [tilespmem:s4], [sflag:$0x5], $0x8000, $0x38;
	[tilespmem:$0x18C00] =	vst v63  }
0x218: {  	_ =	swait.ge [sflag:s9], $0x8000  }
0x219: {  	[sflag:s9] =	ssyncset.done $0x0  }
0x21a: {  	[sflag:s9] =	ssyncadd.s32 $0xFFFF8000  }
0x21b: {  	_ =	swait.ge [sflag:s10], $0x8000  }
0x21c: {  	[sflag:s10] =	ssyncset.done $0x0  }
0x21d: {  	[sflag:s10] =	ssyncadd.s32 $0xFFFF8000  }
0x21e: {  	_ =	sfence.sel $0x180000  }
0x21f: {  	[bflag:$0x0] =	sbarrier.arrive $0xFFFF  }
0x220: {  	_ =	strace $0x90000047  }
0x221: {  	[bflag:$0x2] =	sbarrier.arrive $0xFFFF  }
0x222: {  	p0 =	sne.s32 s15, $0x0;
	s0 =	rddreg [dreg:$0x4]  }
0x223: {  	s0 =	sadd.s32 @!p0 $0x100000, s0  }
0x224: {  	[sflag:s0] =	ssyncadd.tile.s32 @!p0 $0x1;
	_ =	shalt  }
.LBB2_1:
.Ltmp3:
0x225: {  	(pc) =	sbr.rel .LBB2_6-.Ltmp3, $4  }
0x226: {  	s18 =	simm.s32 $0x680;
	s29 =	simm.s32 $0x600  }
0x227: {  	s28 =	simm.s32 $0x780;
	s25 =	simm.s32 $0x700;
	s24 =	simm.s32 $0x880  }
0x228: {  	s23 =	simm.s32 $0x800;
	s22 =	simm.s32 $0x980;
	s21 =	simm.s32 $0x900  }
0x229: {  	s20 =	simm.s32 $0xA80;
	s19 =	simm.s32 $0xA00;
	s16 =	simm.s32 $0xB00  }
.LBB2_3:
.Ltmp4:
0x22a: {  	(pc) =	sbr.rel .LBB2_6-.Ltmp4, $4  }
0x22b: {  	s18 =	simm.s32 $0x680;
	s29 =	simm.s32 $0x600;
	s28 =	simm.s32 $0x780  }
0x22c: {  	s25 =	simm.s32 $0x700;
	s24 =	simm.s32 $0x880;
	s23 =	simm.s32 $0x800  }
0x22d: {  	s22 =	simm.s32 $0x980;
	s21 =	simm.s32 $0x900;
	s20 =	simm.s32 $0xA80  }
0x22e: {  	s19 =	simm.s32 $0xA00;
	s16 =	simm.s32 $0xB00;
	s15 =	stileid.u32  }
.Lfunc_end2:
_tile_overlayer_lowered:
.L_overlay_start_2:
0x22f: {  	(tag) =	ssettag $0x2  }
0x230: {  	s0 =	rddreg [dreg:$0x0];
	s2 =	stileid.u32  }
0x231: {  	s1 =	rddreg [dreg:$0x1];
	p0 =	sne.s32 s2, $0x0  }
0x232: {  	s3 =	rddreg [dreg:$0x2];
	[bflag:$0x3] =	sbarrier.arrive $0xFFFF;
	s2 =	simm.s32 @!p0 $0x1C06  }
0x233: {  	[timem:s3], [sflag:s2] =	dma.local @!p0 [hbm:s0], s1  }
0x234: {  	s0 =	simm.s32 @!p0 $0x6  }
0x235: {  	_ =	swait.ge @!p0 [sflag:s0], s1  }
0x236: {  	s1 =	ssub.s32 @!p0 $0x0, s1;
	[sflag:s0] =	ssyncset.done @!p0 $0x0  }
0x237: {  	[sflag:s0] =	ssyncadd.s32 @!p0 s1  }
0x238: {  	[bflag:$0x3] =	sbarrier.arrive $0xFFFF  }
0x239: {  	_ =	shalt  }

</sc_bundles>
